<compile_context>
chip_gen: v7x
topology: tpu7x:2x2x1
jax: 0.10.2.dev20260603
libtpu: 0.0.44.dev20260713+nightly
codegen_flags: <defaults>
</compile_context>

<pallas_src>
import jax
import jax.numpy as jnp
from jax import lax
from jax.experimental import pallas as pl
from jax.experimental.pallas import tpu as pltpu
from jax.experimental.pallas import tpu_sc as plsc

N = 1048576
NC = 2
NS = 16
NW = NC * NS
CHUNK = N // NW
LANES = 16
SUB = 8192
NPIECE = CHUNK // SUB
PSTEPS = SUB // LANES
NACC = 8


def _dot_kernel(x_hbm, w_hbm, out_hbm, xv0, xv1, wv0, wv1, accbuf, s0, s1):
    cid = lax.axis_index("c")
    sid = lax.axis_index("s")
    wid = sid * NC + cid
    base = wid * CHUNK

    xbufs = (xv0, xv1)
    wbufs = (wv0, wv1)
    sems = (s0, s1)

    def start(p):
        b = p & 1
        cx = pltpu.async_copy(x_hbm.at[pl.ds(base + p * SUB, SUB)], xbufs[b], sems[b])
        cw = pltpu.async_copy(w_hbm.at[pl.ds(base + p * SUB, SUB)], wbufs[b], sems[b])
        return cx, cw

    pending = [start(0), start(1)]

    zero = jnp.zeros((LANES,), jnp.float32)
    accs = (zero,) * NACC
    for p in range(NPIECE):
        b = p & 1
        cx, cw = pending[b]
        cx.wait()
        cw.wait()
        xv = xbufs[b]
        wv = wbufs[b]

        @plsc.parallel_loop(0, PSTEPS, step=NACC, unroll=4, carry=accs)
        def accs_new(i, a):
            bi = i * LANES
            return tuple(
                aa + xv[pl.ds(bi + k * LANES, LANES)] * wv[pl.ds(bi + k * LANES, LANES)]
                for k, aa in enumerate(a)
            )

        accs = accs_new
        if p + 2 < NPIECE:
            pending[b] = start(p + 2)

    acc = zero
    for a in accs:
        acc = acc + a

    accbuf[...] = acc
    pltpu.sync_copy(accbuf, out_hbm.at[wid])


@jax.jit
def kernel(x, W_vals):
    xf = x.reshape(N)
    mesh = plsc.VectorSubcoreMesh(core_axis_name="c", subcore_axis_name="s")
    run = pl.kernel(
        _dot_kernel,
        out_type=jax.ShapeDtypeStruct((NW, LANES), jnp.float32),
        mesh=mesh,
        scratch_types=[
            pltpu.VMEM((SUB,), jnp.float32),
            pltpu.VMEM((SUB,), jnp.float32),
            pltpu.VMEM((SUB,), jnp.float32),
            pltpu.VMEM((SUB,), jnp.float32),
            pltpu.VMEM((LANES,), jnp.float32),
            pltpu.SemaphoreType.DMA,
            pltpu.SemaphoreType.DMA,
        ],
    )
    partials = run(xf, W_vals)
    total = jnp.sum(partials)
    return total * total

# --- scband reference (transcript-rebuilt; emitter-appended) ---
"""Pipeline reference for scband-sparse-network-11879879542366 (READ-ONLY COPY).

The authoritative reference and input builder live on the scoring server;
editing this copy changes nothing except your own understanding.
"""

import jax, jax.numpy as jnp
import numpy as np

INPUT_LENGTH = 1048576

def setup_inputs(seed: int = 0) -> dict:
    key = jax.random.key(seed)
    k1, _ = jax.random.split(key)
    x = jax.random.normal(k1, (INPUT_LENGTH, 1), dtype=jnp.float32)
    # Learned parameter: the sparse matrix values. The torch module stores a
    # 1 x N sparse COO tensor with nonzeros at (0, i) for all i, values = 1.
    W_vals = jnp.ones((INPUT_LENGTH,), dtype=jnp.float32)
    return {"x": x, "W_vals": W_vals}

def reference(x, W_vals):
    # torch.sparse.mm(weights, x): weights is 1 x N with dense row W_vals,
    # so the product is a [1, 1] matrix = W_vals @ x.
    prod = jnp.matmul(W_vals.reshape(1, -1), x)  # [1, 1]
    # torch.norm(prod) ** 2 on a [1,1] tensor is the squared Frobenius norm.
    out = jnp.linalg.norm(prod) ** 2
    return out

if __name__ == "__main__":
    import jax
    _d = setup_inputs()
    print(jax.jit(kernel)(*tuple(_d.values())))

</pallas_src>

<mosaic_0001>
#map = affine_map<(d0, d1) -> (0)>
#map1 = affine_map<(d0, d1) -> (0, 0)>
module attributes {stable_mosaic.version = 14 : i64} {
  func.func @_dot_kernel(%arg0: i32, %arg1: i32, %arg2: memref<1048576xf32, #tpu.memory_space<hbm>>, %arg3: memref<1048576xf32, #tpu.memory_space<hbm>>, %arg4: memref<32x16xf32, #tpu.memory_space<hbm>>, %arg5: memref<8192xf32, #tpu.memory_space<vmem>>, %arg6: memref<8192xf32, #tpu.memory_space<vmem>>, %arg7: memref<8192xf32, #tpu.memory_space<vmem>>, %arg8: memref<8192xf32, #tpu.memory_space<vmem>>, %arg9: memref<16xf32, #tpu.memory_space<vmem>>, %arg10: memref<!tpu.dma_semaphore, #tpu.memory_space<semaphore_mem>>, %arg11: memref<!tpu.dma_semaphore, #tpu.memory_space<semaphore_mem>>) attributes {dimension_semantics = [#tpu.dimension_semantics<core_parallel>, #tpu.dimension_semantics<subcore_parallel>], iteration_bounds = array<i64: 2, 16>, scalar_prefetch = 0 : i64, scratch_operands = 7 : i64, tpu.core_type = #tpu.core_type<sc_vector_subcore>, window_params = [{transform_indices = #map}, {transform_indices = #map}, {transform_indices = #map1}]} {
    %mul3A = arith.constant 2 : i32
    %mul3A_0 = arith.muli %arg1, %mul3A : i32
    %add3A = arith.addi %mul3A_0, %arg0 : i32
    %mul3A_1 = arith.constant 32768 : i32
    %mul3A_2 = arith.muli %add3A, %mul3A_1 : i32
    %add3A_3 = arith.constant 0 : i32
    %add3A_4 = arith.addi %mul3A_2, %add3A_3 : i32
    %dma_start3A = tpu.memref_slice %arg2[%add3A_4] : memref<1048576xf32, #tpu.memory_space<hbm>> -> memref<8192xf32, #tpu.memory_space<hbm>>
    %dma_start3A_5 = tpu.memref_slice %arg2[%add3A_4] : memref<1048576xf32, #tpu.memory_space<hbm>> -> memref<8192xf32, #tpu.memory_space<hbm>>
    tpu.enqueue_dma source(%dma_start3A_5 : memref<8192xf32, #tpu.memory_space<hbm>>) target(%arg5 : memref<8192xf32, #tpu.memory_space<vmem>>) target_semaphore(%arg10 : memref<!tpu.dma_semaphore, #tpu.memory_space<semaphore_mem>>)
    %add3A_6 = arith.constant 0 : i32
    %add3A_7 = arith.addi %mul3A_2, %add3A_6 : i32
    %dma_start3A_8 = tpu.memref_slice %arg3[%add3A_7] : memref<1048576xf32, #tpu.memory_space<hbm>> -> memref<8192xf32, #tpu.memory_space<hbm>>
    %dma_start3A_9 = tpu.memref_slice %arg3[%add3A_7] : memref<1048576xf32, #tpu.memory_space<hbm>> -> memref<8192xf32, #tpu.memory_space<hbm>>
    tpu.enqueue_dma source(%dma_start3A_9 : memref<8192xf32, #tpu.memory_space<hbm>>) target(%arg7 : memref<8192xf32, #tpu.memory_space<vmem>>) target_semaphore(%arg10 : memref<!tpu.dma_semaphore, #tpu.memory_space<semaphore_mem>>)
    %add3A_10 = arith.constant 8192 : i32
    %add3A_11 = arith.addi %mul3A_2, %add3A_10 : i32
    %dma_start3A_12 = tpu.memref_slice %arg2[%add3A_11] : memref<1048576xf32, #tpu.memory_space<hbm>> -> memref<8192xf32, #tpu.memory_space<hbm>>
    %dma_start3A_13 = tpu.memref_slice %arg2[%add3A_11] : memref<1048576xf32, #tpu.memory_space<hbm>> -> memref<8192xf32, #tpu.memory_space<hbm>>
    tpu.enqueue_dma source(%dma_start3A_13 : memref<8192xf32, #tpu.memory_space<hbm>>) target(%arg6 : memref<8192xf32, #tpu.memory_space<vmem>>) target_semaphore(%arg11 : memref<!tpu.dma_semaphore, #tpu.memory_space<semaphore_mem>>)
    %add3A_14 = arith.constant 8192 : i32
    %add3A_15 = arith.addi %mul3A_2, %add3A_14 : i32
    %dma_start3A_16 = tpu.memref_slice %arg3[%add3A_15] : memref<1048576xf32, #tpu.memory_space<hbm>> -> memref<8192xf32, #tpu.memory_space<hbm>>
    %dma_start3A_17 = tpu.memref_slice %arg3[%add3A_15] : memref<1048576xf32, #tpu.memory_space<hbm>> -> memref<8192xf32, #tpu.memory_space<hbm>>
    tpu.enqueue_dma source(%dma_start3A_17 : memref<8192xf32, #tpu.memory_space<hbm>>) target(%arg8 : memref<8192xf32, #tpu.memory_space<vmem>>) target_semaphore(%arg11 : memref<!tpu.dma_semaphore, #tpu.memory_space<semaphore_mem>>)
    %broadcast_in_dim3A = arith.constant 0.000000e+00 : f32
    %broadcast_in_dim3A_18 = vector.broadcast %broadcast_in_dim3A : f32 to vector<16xf32>
    %dma_wait3A = tpu.memref_slice %arg2[%add3A_4] : memref<1048576xf32, #tpu.memory_space<hbm>> -> memref<8192xf32, #tpu.memory_space<hbm>>
    %dma_wait3A_19 = tpu.memref_slice %arg2[%add3A_4] : memref<1048576xf32, #tpu.memory_space<hbm>> -> memref<8192xf32, #tpu.memory_space<hbm>>
    tpu.wait_dma2 semaphore(%arg10 : memref<!tpu.dma_semaphore, #tpu.memory_space<semaphore_mem>>) src(%dma_wait3A_19 : memref<8192xf32, #tpu.memory_space<hbm>>) dst(%arg5 : memref<8192xf32, #tpu.memory_space<vmem>>)
    %dma_wait3A_20 = tpu.memref_slice %arg3[%add3A_7] : memref<1048576xf32, #tpu.memory_space<hbm>> -> memref<8192xf32, #tpu.memory_space<hbm>>
    %dma_wait3A_21 = tpu.memref_slice %arg3[%add3A_7] : memref<1048576xf32, #tpu.memory_space<hbm>> -> memref<8192xf32, #tpu.memory_space<hbm>>
    tpu.wait_dma2 semaphore(%arg10 : memref<!tpu.dma_semaphore, #tpu.memory_space<semaphore_mem>>) src(%dma_wait3A_21 : memref<8192xf32, #tpu.memory_space<hbm>>) dst(%arg7 : memref<8192xf32, #tpu.memory_space<vmem>>)
    %parallel_loop3A = arith.constant 0 : i32
    %parallel_loop3A_22 = arith.constant 512 : i32
    %parallel_loop3A_23 = arith.constant 8 : i32
    %parallel_loop3A_24:8 = scf.for %parallel_loop3A_76 = %parallel_loop3A to %parallel_loop3A_22 step %parallel_loop3A_23 iter_args(%parallel_loop3A_77 = %broadcast_in_dim3A_18, %parallel_loop3A_78 = %broadcast_in_dim3A_18, %parallel_loop3A_79 = %broadcast_in_dim3A_18, %parallel_loop3A_80 = %broadcast_in_dim3A_18, %parallel_loop3A_81 = %broadcast_in_dim3A_18, %parallel_loop3A_82 = %broadcast_in_dim3A_18, %parallel_loop3A_83 = %broadcast_in_dim3A_18, %parallel_loop3A_84 = %broadcast_in_dim3A_18) -> (vector<16xf32>, vector<16xf32>, vector<16xf32>, vector<16xf32>, vector<16xf32>, vector<16xf32>, vector<16xf32>, vector<16xf32>)  : i32 {
      %parallel_loop3A_85 = arith.constant 16 : i32
      %parallel_loop3A_86 = arith.muli %parallel_loop3A_76, %parallel_loop3A_85 : i32
      %parallel_loop3A_87 = arith.constant 0 : i32
      %parallel_loop3A_88 = arith.addi %parallel_loop3A_86, %parallel_loop3A_87 : i32
      %parallel_loop3A_89 = arith.index_cast %parallel_loop3A_88 : i32 to index
      %parallel_loop3A_90 = tpu.vector_load %arg5[%parallel_loop3A_89] {strides = array<i32>} : memref<8192xf32, #tpu.memory_space<vmem>>, vector<16xf32>,
      %parallel_loop3A_91 = vector.shape_cast %parallel_loop3A_90 : vector<16xf32> to vector<16xf32>
      %parallel_loop3A_92 = arith.constant 0 : i32
      %parallel_loop3A_93 = arith.addi %parallel_loop3A_86, %parallel_loop3A_92 : i32
      %parallel_loop3A_94 = arith.index_cast %parallel_loop3A_93 : i32 to index
      %parallel_loop3A_95 = tpu.vector_load %arg7[%parallel_loop3A_94] {strides = array<i32>} : memref<8192xf32, #tpu.memory_space<vmem>>, vector<16xf32>,
      %parallel_loop3A_96 = vector.shape_cast %parallel_loop3A_95 : vector<16xf32> to vector<16xf32>
      %parallel_loop3A_97 = arith.mulf %parallel_loop3A_91, %parallel_loop3A_96 : vector<16xf32>
      %parallel_loop3A_98 = arith.addf %parallel_loop3A_77, %parallel_loop3A_97 : vector<16xf32>
      %parallel_loop3A_99 = arith.constant 16 : i32
      %parallel_loop3A_100 = arith.addi %parallel_loop3A_86, %parallel_loop3A_99 : i32
      %parallel_loop3A_101 = arith.index_cast %parallel_loop3A_100 : i32 to index
      %parallel_loop3A_102 = tpu.vector_load %arg5[%parallel_loop3A_101] {strides = array<i32>} : memref<8192xf32, #tpu.memory_space<vmem>>, vector<16xf32>,
      %parallel_loop3A_103 = vector.shape_cast %parallel_loop3A_102 : vector<16xf32> to vector<16xf32>
      %parallel_loop3A_104 = arith.constant 16 : i32
      %parallel_loop3A_105 = arith.addi %parallel_loop3A_86, %parallel_loop3A_104 : i32
      %parallel_loop3A_106 = arith.index_cast %parallel_loop3A_105 : i32 to index
      %parallel_loop3A_107 = tpu.vector_load %arg7[%parallel_loop3A_106] {strides = array<i32>} : memref<8192xf32, #tpu.memory_space<vmem>>, vector<16xf32>,
      %parallel_loop3A_108 = vector.shape_cast %parallel_loop3A_107 : vector<16xf32> to vector<16xf32>
      %parallel_loop3A_109 = arith.mulf %parallel_loop3A_103, %parallel_loop3A_108 : vector<16xf32>
      %parallel_loop3A_110 = arith.addf %parallel_loop3A_78, %parallel_loop3A_109 : vector<16xf32>
      %parallel_loop3A_111 = arith.constant 32 : i32
      %parallel_loop3A_112 = arith.addi %parallel_loop3A_86, %parallel_loop3A_111 : i32
      %parallel_loop3A_113 = arith.index_cast %parallel_loop3A_112 : i32 to index
      %parallel_loop3A_114 = tpu.vector_load %arg5[%parallel_loop3A_113] {strides = array<i32>} : memref<8192xf32, #tpu.memory_space<vmem>>, vector<16xf32>,
      %parallel_loop3A_115 = vector.shape_cast %parallel_loop3A_114 : vector<16xf32> to vector<16xf32>
      %parallel_loop3A_116 = arith.constant 32 : i32
      %parallel_loop3A_117 = arith.addi %parallel_loop3A_86, %parallel_loop3A_116 : i32
      %parallel_loop3A_118 = arith.index_cast %parallel_loop3A_117 : i32 to index
      %parallel_loop3A_119 = tpu.vector_load %arg7[%parallel_loop3A_118] {strides = array<i32>} : memref<8192xf32, #tpu.memory_space<vmem>>, vector<16xf32>,
      %parallel_loop3A_120 = vector.shape_cast %parallel_loop3A_119 : vector<16xf32> to vector<16xf32>
      %parallel_loop3A_121 = arith.mulf %parallel_loop3A_115, %parallel_loop3A_120 : vector<16xf32>
      %parallel_loop3A_122 = arith.addf %parallel_loop3A_79, %parallel_loop3A_121 : vector<16xf32>
      %parallel_loop3A_123 = arith.constant 48 : i32
      %parallel_loop3A_124 = arith.addi %parallel_loop3A_86, %parallel_loop3A_123 : i32
      %parallel_loop3A_125 = arith.index_cast %parallel_loop3A_124 : i32 to index
      %parallel_loop3A_126 = tpu.vector_load %arg5[%parallel_loop3A_125] {strides = array<i32>} : memref<8192xf32, #tpu.memory_space<vmem>>, vector<16xf32>,
      %parallel_loop3A_127 = vector.shape_cast %parallel_loop3A_126 : vector<16xf32> to vector<16xf32>
      %parallel_loop3A_128 = arith.constant 48 : i32
      %parallel_loop3A_129 = arith.addi %parallel_loop3A_86, %parallel_loop3A_128 : i32
      %parallel_loop3A_130 = arith.index_cast %parallel_loop3A_129 : i32 to index
      %parallel_loop3A_131 = tpu.vector_load %arg7[%parallel_loop3A_130] {strides = array<i32>} : memref<8192xf32, #tpu.memory_space<vmem>>, vector<16xf32>,
      %parallel_loop3A_132 = vector.shape_cast %parallel_loop3A_131 : vector<16xf32> to vector<16xf32>
      %parallel_loop3A_133 = arith.mulf %parallel_loop3A_127, %parallel_loop3A_132 : vector<16xf32>
      %parallel_loop3A_134 = arith.addf %parallel_loop3A_80, %parallel_loop3A_133 : vector<16xf32>
      %parallel_loop3A_135 = arith.constant 64 : i32
      %parallel_loop3A_136 = arith.addi %parallel_loop3A_86, %parallel_loop3A_135 : i32
      %parallel_loop3A_137 = arith.index_cast %parallel_loop3A_136 : i32 to index
      %parallel_loop3A_138 = tpu.vector_load %arg5[%parallel_loop3A_137] {strides = array<i32>} : memref<8192xf32, #tpu.memory_space<vmem>>, vector<16xf32>,
      %parallel_loop3A_139 = vector.shape_cast %parallel_loop3A_138 : vector<16xf32> to vector<16xf32>
      %parallel_loop3A_140 = arith.constant 64 : i32
      %parallel_loop3A_141 = arith.addi %parallel_loop3A_86, %parallel_loop3A_140 : i32
      %parallel_loop3A_142 = arith.index_cast %parallel_loop3A_141 : i32 to index
      %parallel_loop3A_143 = tpu.vector_load %arg7[%parallel_loop3A_142] {strides = array<i32>} : memref<8192xf32, #tpu.memory_space<vmem>>, vector<16xf32>,
      %parallel_loop3A_144 = vector.shape_cast %parallel_loop3A_143 : vector<16xf32> to vector<16xf32>
      %parallel_loop3A_145 = arith.mulf %parallel_loop3A_139, %parallel_loop3A_144 : vector<16xf32>
      %parallel_loop3A_146 = arith.addf %parallel_loop3A_81, %parallel_loop3A_145 : vector<16xf32>
      %parallel_loop3A_147 = arith.constant 80 : i32
      %parallel_loop3A_148 = arith.addi %parallel_loop3A_86, %parallel_loop3A_147 : i32
      %parallel_loop3A_149 = arith.index_cast %parallel_loop3A_148 : i32 to index
      %parallel_loop3A_150 = tpu.vector_load %arg5[%parallel_loop3A_149] {strides = array<i32>} : memref<8192xf32, #tpu.memory_space<vmem>>, vector<16xf32>,
      %parallel_loop3A_151 = vector.shape_cast %parallel_loop3A_150 : vector<16xf32> to vector<16xf32>
      %parallel_loop3A_152 = arith.constant 80 : i32
      %parallel_loop3A_153 = arith.addi %parallel_loop3A_86, %parallel_loop3A_152 : i32
      %parallel_loop3A_154 = arith.index_cast %parallel_loop3A_153 : i32 to index
      %parallel_loop3A_155 = tpu.vector_load %arg7[%parallel_loop3A_154] {strides = array<i32>} : memref<8192xf32, #tpu.memory_space<vmem>>, vector<16xf32>,
      %parallel_loop3A_156 = vector.shape_cast %parallel_loop3A_155 : vector<16xf32> to vector<16xf32>
      %parallel_loop3A_157 = arith.mulf %parallel_loop3A_151, %parallel_loop3A_156 : vector<16xf32>
      %parallel_loop3A_158 = arith.addf %parallel_loop3A_82, %parallel_loop3A_157 : vector<16xf32>
      %parallel_loop3A_159 = arith.constant 96 : i32
      %parallel_loop3A_160 = arith.addi %parallel_loop3A_86, %parallel_loop3A_159 : i32
      %parallel_loop3A_161 = arith.index_cast %parallel_loop3A_160 : i32 to index
      %parallel_loop3A_162 = tpu.vector_load %arg5[%parallel_loop3A_161] {strides = array<i32>} : memref<8192xf32, #tpu.memory_space<vmem>>, vector<16xf32>,
      %parallel_loop3A_163 = vector.shape_cast %parallel_loop3A_162 : vector<16xf32> to vector<16xf32>
      %parallel_loop3A_164 = arith.constant 96 : i32
      %parallel_loop3A_165 = arith.addi %parallel_loop3A_86, %parallel_loop3A_164 : i32
      %parallel_loop3A_166 = arith.index_cast %parallel_loop3A_165 : i32 to index
      %parallel_loop3A_167 = tpu.vector_load %arg7[%parallel_loop3A_166] {strides = array<i32>} : memref<8192xf32, #tpu.memory_space<vmem>>, vector<16xf32>,
      %parallel_loop3A_168 = vector.shape_cast %parallel_loop3A_167 : vector<16xf32> to vector<16xf32>
      %parallel_loop3A_169 = arith.mulf %parallel_loop3A_163, %parallel_loop3A_168 : vector<16xf32>
      %parallel_loop3A_170 = arith.addf %parallel_loop3A_83, %parallel_loop3A_169 : vector<16xf32>
      %parallel_loop3A_171 = arith.constant 112 : i32
      %parallel_loop3A_172 = arith.addi %parallel_loop3A_86, %parallel_loop3A_171 : i32
      %parallel_loop3A_173 = arith.index_cast %parallel_loop3A_172 : i32 to index
      %parallel_loop3A_174 = tpu.vector_load %arg5[%parallel_loop3A_173] {strides = array<i32>} : memref<8192xf32, #tpu.memory_space<vmem>>, vector<16xf32>,
      %parallel_loop3A_175 = vector.shape_cast %parallel_loop3A_174 : vector<16xf32> to vector<16xf32>
      %parallel_loop3A_176 = arith.constant 112 : i32
      %parallel_loop3A_177 = arith.addi %parallel_loop3A_86, %parallel_loop3A_176 : i32
      %parallel_loop3A_178 = arith.index_cast %parallel_loop3A_177 : i32 to index
      %parallel_loop3A_179 = tpu.vector_load %arg7[%parallel_loop3A_178] {strides = array<i32>} : memref<8192xf32, #tpu.memory_space<vmem>>, vector<16xf32>,
      %parallel_loop3A_180 = vector.shape_cast %parallel_loop3A_179 : vector<16xf32> to vector<16xf32>
      %parallel_loop3A_181 = arith.mulf %parallel_loop3A_175, %parallel_loop3A_180 : vector<16xf32>
      %parallel_loop3A_182 = arith.addf %parallel_loop3A_84, %parallel_loop3A_181 : vector<16xf32>
      scf.yield %parallel_loop3A_98, %parallel_loop3A_110, %parallel_loop3A_122, %parallel_loop3A_134, %parallel_loop3A_146, %parallel_loop3A_158, %parallel_loop3A_170, %parallel_loop3A_182 : vector<16xf32>, vector<16xf32>, vector<16xf32>, vector<16xf32>, vector<16xf32>, vector<16xf32>, vector<16xf32>, vector<16xf32>
    } {sc.loop_unroll_factor = 4 : i64, sc.parallel_access}
    %add3A_25 = arith.constant 16384 : i32
    %add3A_26 = arith.addi %mul3A_2, %add3A_25 : i32
    %dma_start3A_27 = tpu.memref_slice %arg2[%add3A_26] : memref<1048576xf32, #tpu.memory_space<hbm>> -> memref<8192xf32, #tpu.memory_space<hbm>>
    %dma_start3A_28 = tpu.memref_slice %arg2[%add3A_26] : memref<1048576xf32, #tpu.memory_space<hbm>> -> memref<8192xf32, #tpu.memory_space<hbm>>
    tpu.enqueue_dma source(%dma_start3A_28 : memref<8192xf32, #tpu.memory_space<hbm>>) target(%arg5 : memref<8192xf32, #tpu.memory_space<vmem>>) target_semaphore(%arg10 : memref<!tpu.dma_semaphore, #tpu.memory_space<semaphore_mem>>)
    %add3A_29 = arith.constant 16384 : i32
    %add3A_30 = arith.addi %mul3A_2, %add3A_29 : i32
    %dma_start3A_31 = tpu.memref_slice %arg3[%add3A_30] : memref<1048576xf32, #tpu.memory_space<hbm>> -> memref<8192xf32, #tpu.memory_space<hbm>>
    %dma_start3A_32 = tpu.memref_slice %arg3[%add3A_30] : memref<1048576xf32, #tpu.memory_space<hbm>> -> memref<8192xf32, #tpu.memory_space<hbm>>
    tpu.enqueue_dma source(%dma_start3A_32 : memref<8192xf32, #tpu.memory_space<hbm>>) target(%arg7 : memref<8192xf32, #tpu.memory_space<vmem>>) target_semaphore(%arg10 : memref<!tpu.dma_semaphore, #tpu.memory_space<semaphore_mem>>)
    %dma_wait3A_33 = tpu.memref_slice %arg2[%add3A_11] : memref<1048576xf32, #tpu.memory_space<hbm>> -> memref<8192xf32, #tpu.memory_space<hbm>>
    %dma_wait3A_34 = tpu.memref_slice %arg2[%add3A_11] : memref<1048576xf32, #tpu.memory_space<hbm>> -> memref<8192xf32, #tpu.memory_space<hbm>>
    tpu.wait_dma2 semaphore(%arg11 : memref<!tpu.dma_semaphore, #tpu.memory_space<semaphore_mem>>) src(%dma_wait3A_34 : memref<8192xf32, #tpu.memory_space<hbm>>) dst(%arg6 : memref<8192xf32, #tpu.memory_space<vmem>>)
    %dma_wait3A_35 = tpu.memref_slice %arg3[%add3A_15] : memref<1048576xf32, #tpu.memory_space<hbm>> -> memref<8192xf32, #tpu.memory_space<hbm>>
    %dma_wait3A_36 = tpu.memref_slice %arg3[%add3A_15] : memref<1048576xf32, #tpu.memory_space<hbm>> -> memref<8192xf32, #tpu.memory_space<hbm>>
    tpu.wait_dma2 semaphore(%arg11 : memref<!tpu.dma_semaphore, #tpu.memory_space<semaphore_mem>>) src(%dma_wait3A_36 : memref<8192xf32, #tpu.memory_space<hbm>>) dst(%arg8 : memref<8192xf32, #tpu.memory_space<vmem>>)
    %parallel_loop3A_37 = arith.constant 0 : i32
    %parallel_loop3A_38 = arith.constant 512 : i32
    %parallel_loop3A_39 = arith.constant 8 : i32
    %parallel_loop3A_40:8 = scf.for %parallel_loop3A_76 = %parallel_loop3A_37 to %parallel_loop3A_38 step %parallel_loop3A_39 iter_args(%parallel_loop3A_77 = %parallel_loop3A_24#0, %parallel_loop3A_78 = %parallel_loop3A_24#1, %parallel_loop3A_79 = %parallel_loop3A_24#2, %parallel_loop3A_80 = %parallel_loop3A_24#3, %parallel_loop3A_81 = %parallel_loop3A_24#4, %parallel_loop3A_82 = %parallel_loop3A_24#5, %parallel_loop3A_83 = %parallel_loop3A_24#6, %parallel_loop3A_84 = %parallel_loop3A_24#7) -> (vector<16xf32>, vector<16xf32>, vector<16xf32>, vector<16xf32>, vector<16xf32>, vector<16xf32>, vector<16xf32>, vector<16xf32>)  : i32 {
      %parallel_loop3A_85 = arith.constant 16 : i32
      %parallel_loop3A_86 = arith.muli %parallel_loop3A_76, %parallel_loop3A_85 : i32
      %parallel_loop3A_87 = arith.constant 0 : i32
      %parallel_loop3A_88 = arith.addi %parallel_loop3A_86, %parallel_loop3A_87 : i32
      %parallel_loop3A_89 = arith.index_cast %parallel_loop3A_88 : i32 to index
      %parallel_loop3A_90 = tpu.vector_load %arg6[%parallel_loop3A_89] {strides = array<i32>} : memref<8192xf32, #tpu.memory_space<vmem>>, vector<16xf32>,
      %parallel_loop3A_91 = vector.shape_cast %parallel_loop3A_90 : vector<16xf32> to vector<16xf32>
      %parallel_loop3A_92 = arith.constant 0 : i32
      %parallel_loop3A_93 = arith.addi %parallel_loop3A_86, %parallel_loop3A_92 : i32
      %parallel_loop3A_94 = arith.index_cast %parallel_loop3A_93 : i32 to index
      %parallel_loop3A_95 = tpu.vector_load %arg8[%parallel_loop3A_94] {strides = array<i32>} : memref<8192xf32, #tpu.memory_space<vmem>>, vector<16xf32>,
      %parallel_loop3A_96 = vector.shape_cast %parallel_loop3A_95 : vector<16xf32> to vector<16xf32>
      %parallel_loop3A_97 = arith.mulf %parallel_loop3A_91, %parallel_loop3A_96 : vector<16xf32>
      %parallel_loop3A_98 = arith.addf %parallel_loop3A_77, %parallel_loop3A_97 : vector<16xf32>
      %parallel_loop3A_99 = arith.constant 16 : i32
      %parallel_loop3A_100 = arith.addi %parallel_loop3A_86, %parallel_loop3A_99 : i32
      %parallel_loop3A_101 = arith.index_cast %parallel_loop3A_100 : i32 to index
      %parallel_loop3A_102 = tpu.vector_load %arg6[%parallel_loop3A_101] {strides = array<i32>} : memref<8192xf32, #tpu.memory_space<vmem>>, vector<16xf32>,
      %parallel_loop3A_103 = vector.shape_cast %parallel_loop3A_102 : vector<16xf32> to vector<16xf32>
      %parallel_loop3A_104 = arith.constant 16 : i32
      %parallel_loop3A_105 = arith.addi %parallel_loop3A_86, %parallel_loop3A_104 : i32
      %parallel_loop3A_106 = arith.index_cast %parallel_loop3A_105 : i32 to index
      %parallel_loop3A_107 = tpu.vector_load %arg8[%parallel_loop3A_106] {strides = array<i32>} : memref<8192xf32, #tpu.memory_space<vmem>>, vector<16xf32>,
      %parallel_loop3A_108 = vector.shape_cast %parallel_loop3A_107 : vector<16xf32> to vector<16xf32>
      %parallel_loop3A_109 = arith.mulf %parallel_loop3A_103, %parallel_loop3A_108 : vector<16xf32>
      %parallel_loop3A_110 = arith.addf %parallel_loop3A_78, %parallel_loop3A_109 : vector<16xf32>
      %parallel_loop3A_111 = arith.constant 32 : i32
      %parallel_loop3A_112 = arith.addi %parallel_loop3A_86, %parallel_loop3A_111 : i32
      %parallel_loop3A_113 = arith.index_cast %parallel_loop3A_112 : i32 to index
      %parallel_loop3A_114 = tpu.vector_load %arg6[%parallel_loop3A_113] {strides = array<i32>} : memref<8192xf32, #tpu.memory_space<vmem>>, vector<16xf32>,
      %parallel_loop3A_115 = vector.shape_cast %parallel_loop3A_114 : vector<16xf32> to vector<16xf32>
      %parallel_loop3A_116 = arith.constant 32 : i32
      %parallel_loop3A_117 = arith.addi %parallel_loop3A_86, %parallel_loop3A_116 : i32
      %parallel_loop3A_118 = arith.index_cast %parallel_loop3A_117 : i32 to index
      %parallel_loop3A_119 = tpu.vector_load %arg8[%parallel_loop3A_118] {strides = array<i32>} : memref<8192xf32, #tpu.memory_space<vmem>>, vector<16xf32>,
      %parallel_loop3A_120 = vector.shape_cast %parallel_loop3A_119 : vector<16xf32> to vector<16xf32>
      %parallel_loop3A_121 = arith.mulf %parallel_loop3A_115, %parallel_loop3A_120 : vector<16xf32>
      %parallel_loop3A_122 = arith.addf %parallel_loop3A_79, %parallel_loop3A_121 : vector<16xf32>
      %parallel_loop3A_123 = arith.constant 48 : i32
      %parallel_loop3A_124 = arith.addi %parallel_loop3A_86, %parallel_loop3A_123 : i32
      %parallel_loop3A_125 = arith.index_cast %parallel_loop3A_124 : i32 to index
      %parallel_loop3A_126 = tpu.vector_load %arg6[%parallel_loop3A_125] {strides = array<i32>} : memref<8192xf32, #tpu.memory_space<vmem>>, vector<16xf32>,
      %parallel_loop3A_127 = vector.shape_cast %parallel_loop3A_126 : vector<16xf32> to vector<16xf32>
      %parallel_loop3A_128 = arith.constant 48 : i32
      %parallel_loop3A_129 = arith.addi %parallel_loop3A_86, %parallel_loop3A_128 : i32
      %parallel_loop3A_130 = arith.index_cast %parallel_loop3A_129 : i32 to index
      %parallel_loop3A_131 = tpu.vector_load %arg8[%parallel_loop3A_130] {strides = array<i32>} : memref<8192xf32, #tpu.memory_space<vmem>>, vector<16xf32>,
      %parallel_loop3A_132 = vector.shape_cast %parallel_loop3A_131 : vector<16xf32> to vector<16xf32>
      %parallel_loop3A_133 = arith.mulf %parallel_loop3A_127, %parallel_loop3A_132 : vector<16xf32>
      %parallel_loop3A_134 = arith.addf %parallel_loop3A_80, %parallel_loop3A_133 : vector<16xf32>
      %parallel_loop3A_135 = arith.constant 64 : i32
      %parallel_loop3A_136 = arith.addi %parallel_loop3A_86, %parallel_loop3A_135 : i32
      %parallel_loop3A_137 = arith.index_cast %parallel_loop3A_136 : i32 to index
      %parallel_loop3A_138 = tpu.vector_load %arg6[%parallel_loop3A_137] {strides = array<i32>} : memref<8192xf32, #tpu.memory_space<vmem>>, vector<16xf32>,
      %parallel_loop3A_139 = vector.shape_cast %parallel_loop3A_138 : vector<16xf32> to vector<16xf32>
      %parallel_loop3A_140 = arith.constant 64 : i32
      %parallel_loop3A_141 = arith.addi %parallel_loop3A_86, %parallel_loop3A_140 : i32
      %parallel_loop3A_142 = arith.index_cast %parallel_loop3A_141 : i32 to index
      %parallel_loop3A_143 = tpu.vector_load %arg8[%parallel_loop3A_142] {strides = array<i32>} : memref<8192xf32, #tpu.memory_space<vmem>>, vector<16xf32>,
      %parallel_loop3A_144 = vector.shape_cast %parallel_loop3A_143 : vector<16xf32> to vector<16xf32>
      %parallel_loop3A_145 = arith.mulf %parallel_loop3A_139, %parallel_loop3A_144 : vector<16xf32>
      %parallel_loop3A_146 = arith.addf %parallel_loop3A_81, %parallel_loop3A_145 : vector<16xf32>
      %parallel_loop3A_147 = arith.constant 80 : i32
      %parallel_loop3A_148 = arith.addi %parallel_loop3A_86, %parallel_loop3A_147 : i32
      %parallel_loop3A_149 = arith.index_cast %parallel_loop3A_148 : i32 to index
      %parallel_loop3A_150 = tpu.vector_load %arg6[%parallel_loop3A_149] {strides = array<i32>} : memref<8192xf32, #tpu.memory_space<vmem>>, vector<16xf32>,
      %parallel_loop3A_151 = vector.shape_cast %parallel_loop3A_150 : vector<16xf32> to vector<16xf32>
      %parallel_loop3A_152 = arith.constant 80 : i32
      %parallel_loop3A_153 = arith.addi %parallel_loop3A_86, %parallel_loop3A_152 : i32
      %parallel_loop3A_154 = arith.index_cast %parallel_loop3A_153 : i32 to index
      %parallel_loop3A_155 = tpu.vector_load %arg8[%parallel_loop3A_154] {strides = array<i32>} : memref<8192xf32, #tpu.memory_space<vmem>>, vector<16xf32>,
      %parallel_loop3A_156 = vector.shape_cast %parallel_loop3A_155 : vector<16xf32> to vector<16xf32>
      %parallel_loop3A_157 = arith.mulf %parallel_loop3A_151, %parallel_loop3A_156 : vector<16xf32>
      %parallel_loop3A_158 = arith.addf %parallel_loop3A_82, %parallel_loop3A_157 : vector<16xf32>
      %parallel_loop3A_159 = arith.constant 96 : i32
      %parallel_loop3A_160 = arith.addi %parallel_loop3A_86, %parallel_loop3A_159 : i32
      %parallel_loop3A_161 = arith.index_cast %parallel_loop3A_160 : i32 to index
      %parallel_loop3A_162 = tpu.vector_load %arg6[%parallel_loop3A_161] {strides = array<i32>} : memref<8192xf32, #tpu.memory_space<vmem>>, vector<16xf32>,
      %parallel_loop3A_163 = vector.shape_cast %parallel_loop3A_162 : vector<16xf32> to vector<16xf32>
      %parallel_loop3A_164 = arith.constant 96 : i32
      %parallel_loop3A_165 = arith.addi %parallel_loop3A_86, %parallel_loop3A_164 : i32
      %parallel_loop3A_166 = arith.index_cast %parallel_loop3A_165 : i32 to index
      %parallel_loop3A_167 = tpu.vector_load %arg8[%parallel_loop3A_166] {strides = array<i32>} : memref<8192xf32, #tpu.memory_space<vmem>>, vector<16xf32>,
      %parallel_loop3A_168 = vector.shape_cast %parallel_loop3A_167 : vector<16xf32> to vector<16xf32>
      %parallel_loop3A_169 = arith.mulf %parallel_loop3A_163, %parallel_loop3A_168 : vector<16xf32>
      %parallel_loop3A_170 = arith.addf %parallel_loop3A_83, %parallel_loop3A_169 : vector<16xf32>
      %parallel_loop3A_171 = arith.constant 112 : i32
      %parallel_loop3A_172 = arith.addi %parallel_loop3A_86, %parallel_loop3A_171 : i32
      %parallel_loop3A_173 = arith.index_cast %parallel_loop3A_172 : i32 to index
      %parallel_loop3A_174 = tpu.vector_load %arg6[%parallel_loop3A_173] {strides = array<i32>} : memref<8192xf32, #tpu.memory_space<vmem>>, vector<16xf32>,
      %parallel_loop3A_175 = vector.shape_cast %parallel_loop3A_174 : vector<16xf32> to vector<16xf32>
      %parallel_loop3A_176 = arith.constant 112 : i32
      %parallel_loop3A_177 = arith.addi %parallel_loop3A_86, %parallel_loop3A_176 : i32
      %parallel_loop3A_178 = arith.index_cast %parallel_loop3A_177 : i32 to index
      %parallel_loop3A_179 = tpu.vector_load %arg8[%parallel_loop3A_178] {strides = array<i32>} : memref<8192xf32, #tpu.memory_space<vmem>>, vector<16xf32>,
      %parallel_loop3A_180 = vector.shape_cast %parallel_loop3A_179 : vector<16xf32> to vector<16xf32>
      %parallel_loop3A_181 = arith.mulf %parallel_loop3A_175, %parallel_loop3A_180 : vector<16xf32>
      %parallel_loop3A_182 = arith.addf %parallel_loop3A_84, %parallel_loop3A_181 : vector<16xf32>
      scf.yield %parallel_loop3A_98, %parallel_loop3A_110, %parallel_loop3A_122, %parallel_loop3A_134, %parallel_loop3A_146, %parallel_loop3A_158, %parallel_loop3A_170, %parallel_loop3A_182 : vector<16xf32>, vector<16xf32>, vector<16xf32>, vector<16xf32>, vector<16xf32>, vector<16xf32>, vector<16xf32>, vector<16xf32>
    } {sc.loop_unroll_factor = 4 : i64, sc.parallel_access}
    %add3A_41 = arith.constant 24576 : i32
    %add3A_42 = arith.addi %mul3A_2, %add3A_41 : i32
    %dma_start3A_43 = tpu.memref_slice %arg2[%add3A_42] : memref<1048576xf32, #tpu.memory_space<hbm>> -> memref<8192xf32, #tpu.memory_space<hbm>>
    %dma_start3A_44 = tpu.memref_slice %arg2[%add3A_42] : memref<1048576xf32, #tpu.memory_space<hbm>> -> memref<8192xf32, #tpu.memory_space<hbm>>
    tpu.enqueue_dma source(%dma_start3A_44 : memref<8192xf32, #tpu.memory_space<hbm>>) target(%arg6 : memref<8192xf32, #tpu.memory_space<vmem>>) target_semaphore(%arg11 : memref<!tpu.dma_semaphore, #tpu.memory_space<semaphore_mem>>)
    %add3A_45 = arith.constant 24576 : i32
    %add3A_46 = arith.addi %mul3A_2, %add3A_45 : i32
    %dma_start3A_47 = tpu.memref_slice %arg3[%add3A_46] : memref<1048576xf32, #tpu.memory_space<hbm>> -> memref<8192xf32, #tpu.memory_space<hbm>>
    %dma_start3A_48 = tpu.memref_slice %arg3[%add3A_46] : memref<1048576xf32, #tpu.memory_space<hbm>> -> memref<8192xf32, #tpu.memory_space<hbm>>
    tpu.enqueue_dma source(%dma_start3A_48 : memref<8192xf32, #tpu.memory_space<hbm>>) target(%arg8 : memref<8192xf32, #tpu.memory_space<vmem>>) target_semaphore(%arg11 : memref<!tpu.dma_semaphore, #tpu.memory_space<semaphore_mem>>)
    %dma_wait3A_49 = tpu.memref_slice %arg2[%add3A_26] : memref<1048576xf32, #tpu.memory_space<hbm>> -> memref<8192xf32, #tpu.memory_space<hbm>>
    %dma_wait3A_50 = tpu.memref_slice %arg2[%add3A_26] : memref<1048576xf32, #tpu.memory_space<hbm>> -> memref<8192xf32, #tpu.memory_space<hbm>>
    tpu.wait_dma2 semaphore(%arg10 : memref<!tpu.dma_semaphore, #tpu.memory_space<semaphore_mem>>) src(%dma_wait3A_50 : memref<8192xf32, #tpu.memory_space<hbm>>) dst(%arg5 : memref<8192xf32, #tpu.memory_space<vmem>>)
    %dma_wait3A_51 = tpu.memref_slice %arg3[%add3A_30] : memref<1048576xf32, #tpu.memory_space<hbm>> -> memref<8192xf32, #tpu.memory_space<hbm>>
    %dma_wait3A_52 = tpu.memref_slice %arg3[%add3A_30] : memref<1048576xf32, #tpu.memory_space<hbm>> -> memref<8192xf32, #tpu.memory_space<hbm>>
    tpu.wait_dma2 semaphore(%arg10 : memref<!tpu.dma_semaphore, #tpu.memory_space<semaphore_mem>>) src(%dma_wait3A_52 : memref<8192xf32, #tpu.memory_space<hbm>>) dst(%arg7 : memref<8192xf32, #tpu.memory_space<vmem>>)
    %parallel_loop3A_53 = arith.constant 0 : i32
    %parallel_loop3A_54 = arith.constant 512 : i32
    %parallel_loop3A_55 = arith.constant 8 : i32
    %parallel_loop3A_56:8 = scf.for %parallel_loop3A_76 = %parallel_loop3A_53 to %parallel_loop3A_54 step %parallel_loop3A_55 iter_args(%parallel_loop3A_77 = %parallel_loop3A_40#0, %parallel_loop3A_78 = %parallel_loop3A_40#1, %parallel_loop3A_79 = %parallel_loop3A_40#2, %parallel_loop3A_80 = %parallel_loop3A_40#3, %parallel_loop3A_81 = %parallel_loop3A_40#4, %parallel_loop3A_82 = %parallel_loop3A_40#5, %parallel_loop3A_83 = %parallel_loop3A_40#6, %parallel_loop3A_84 = %parallel_loop3A_40#7) -> (vector<16xf32>, vector<16xf32>, vector<16xf32>, vector<16xf32>, vector<16xf32>, vector<16xf32>, vector<16xf32>, vector<16xf32>)  : i32 {
      %parallel_loop3A_85 = arith.constant 16 : i32
      %parallel_loop3A_86 = arith.muli %parallel_loop3A_76, %parallel_loop3A_85 : i32
      %parallel_loop3A_87 = arith.constant 0 : i32
      %parallel_loop3A_88 = arith.addi %parallel_loop3A_86, %parallel_loop3A_87 : i32
      %parallel_loop3A_89 = arith.index_cast %parallel_loop3A_88 : i32 to index
      %parallel_loop3A_90 = tpu.vector_load %arg5[%parallel_loop3A_89] {strides = array<i32>} : memref<8192xf32, #tpu.memory_space<vmem>>, vector<16xf32>,
      %parallel_loop3A_91 = vector.shape_cast %parallel_loop3A_90 : vector<16xf32> to vector<16xf32>
      %parallel_loop3A_92 = arith.constant 0 : i32
      %parallel_loop3A_93 = arith.addi %parallel_loop3A_86, %parallel_loop3A_92 : i32
      %parallel_loop3A_94 = arith.index_cast %parallel_loop3A_93 : i32 to index
      %parallel_loop3A_95 = tpu.vector_load %arg7[%parallel_loop3A_94] {strides = array<i32>} : memref<8192xf32, #tpu.memory_space<vmem>>, vector<16xf32>,
      %parallel_loop3A_96 = vector.shape_cast %parallel_loop3A_95 : vector<16xf32> to vector<16xf32>
      %parallel_loop3A_97 = arith.mulf %parallel_loop3A_91, %parallel_loop3A_96 : vector<16xf32>
      %parallel_loop3A_98 = arith.addf %parallel_loop3A_77, %parallel_loop3A_97 : vector<16xf32>
      %parallel_loop3A_99 = arith.constant 16 : i32
      %parallel_loop3A_100 = arith.addi %parallel_loop3A_86, %parallel_loop3A_99 : i32
      %parallel_loop3A_101 = arith.index_cast %parallel_loop3A_100 : i32 to index
      %parallel_loop3A_102 = tpu.vector_load %arg5[%parallel_loop3A_101] {strides = array<i32>} : memref<8192xf32, #tpu.memory_space<vmem>>, vector<16xf32>,
      %parallel_loop3A_103 = vector.shape_cast %parallel_loop3A_102 : vector<16xf32> to vector<16xf32>
      %parallel_loop3A_104 = arith.constant 16 : i32
      %parallel_loop3A_105 = arith.addi %parallel_loop3A_86, %parallel_loop3A_104 : i32
      %parallel_loop3A_106 = arith.index_cast %parallel_loop3A_105 : i32 to index
      %parallel_loop3A_107 = tpu.vector_load %arg7[%parallel_loop3A_106] {strides = array<i32>} : memref<8192xf32, #tpu.memory_space<vmem>>, vector<16xf32>,
      %parallel_loop3A_108 = vector.shape_cast %parallel_loop3A_107 : vector<16xf32> to vector<16xf32>
      %parallel_loop3A_109 = arith.mulf %parallel_loop3A_103, %parallel_loop3A_108 : vector<16xf32>
      %parallel_loop3A_110 = arith.addf %parallel_loop3A_78, %parallel_loop3A_109 : vector<16xf32>
      %parallel_loop3A_111 = arith.constant 32 : i32
      %parallel_loop3A_112 = arith.addi %parallel_loop3A_86, %parallel_loop3A_111 : i32
      %parallel_loop3A_113 = arith.index_cast %parallel_loop3A_112 : i32 to index
      %parallel_loop3A_114 = tpu.vector_load %arg5[%parallel_loop3A_113] {strides = array<i32>} : memref<8192xf32, #tpu.memory_space<vmem>>, vector<16xf32>,
      %parallel_loop3A_115 = vector.shape_cast %parallel_loop3A_114 : vector<16xf32> to vector<16xf32>
      %parallel_loop3A_116 = arith.constant 32 : i32
      %parallel_loop3A_117 = arith.addi %parallel_loop3A_86, %parallel_loop3A_116 : i32
      %parallel_loop3A_118 = arith.index_cast %parallel_loop3A_117 : i32 to index
      %parallel_loop3A_119 = tpu.vector_load %arg7[%parallel_loop3A_118] {strides = array<i32>} : memref<8192xf32, #tpu.memory_space<vmem>>, vector<16xf32>,
      %parallel_loop3A_120 = vector.shape_cast %parallel_loop3A_119 : vector<16xf32> to vector<16xf32>
      %parallel_loop3A_121 = arith.mulf %parallel_loop3A_115, %parallel_loop3A_120 : vector<16xf32>
      %parallel_loop3A_122 = arith.addf %parallel_loop3A_79, %parallel_loop3A_121 : vector<16xf32>
      %parallel_loop3A_123 = arith.constant 48 : i32
      %parallel_loop3A_124 = arith.addi %parallel_loop3A_86, %parallel_loop3A_123 : i32
      %parallel_loop3A_125 = arith.index_cast %parallel_loop3A_124 : i32 to index
      %parallel_loop3A_126 = tpu.vector_load %arg5[%parallel_loop3A_125] {strides = array<i32>} : memref<8192xf32, #tpu.memory_space<vmem>>, vector<16xf32>,
      %parallel_loop3A_127 = vector.shape_cast %parallel_loop3A_126 : vector<16xf32> to vector<16xf32>
      %parallel_loop3A_128 = arith.constant 48 : i32
      %parallel_loop3A_129 = arith.addi %parallel_loop3A_86, %parallel_loop3A_128 : i32
      %parallel_loop3A_130 = arith.index_cast %parallel_loop3A_129 : i32 to index
      %parallel_loop3A_131 = tpu.vector_load %arg7[%parallel_loop3A_130] {strides = array<i32>} : memref<8192xf32, #tpu.memory_space<vmem>>, vector<16xf32>,
      %parallel_loop3A_132 = vector.shape_cast %parallel_loop3A_131 : vector<16xf32> to vector<16xf32>
      %parallel_loop3A_133 = arith.mulf %parallel_loop3A_127, %parallel_loop3A_132 : vector<16xf32>
      %parallel_loop3A_134 = arith.addf %parallel_loop3A_80, %parallel_loop3A_133 : vector<16xf32>
      %parallel_loop3A_135 = arith.constant 64 : i32
      %parallel_loop3A_136 = arith.addi %parallel_loop3A_86, %parallel_loop3A_135 : i32
      %parallel_loop3A_137 = arith.index_cast %parallel_loop3A_136 : i32 to index
      %parallel_loop3A_138 = tpu.vector_load %arg5[%parallel_loop3A_137] {strides = array<i32>} : memref<8192xf32, #tpu.memory_space<vmem>>, vector<16xf32>,
      %parallel_loop3A_139 = vector.shape_cast %parallel_loop3A_138 : vector<16xf32> to vector<16xf32>
      %parallel_loop3A_140 = arith.constant 64 : i32
      %parallel_loop3A_141 = arith.addi %parallel_loop3A_86, %parallel_loop3A_140 : i32
      %parallel_loop3A_142 = arith.index_cast %parallel_loop3A_141 : i32 to index
      %parallel_loop3A_143 = tpu.vector_load %arg7[%parallel_loop3A_142] {strides = array<i32>} : memref<8192xf32, #tpu.memory_space<vmem>>, vector<16xf32>,
      %parallel_loop3A_144 = vector.shape_cast %parallel_loop3A_143 : vector<16xf32> to vector<16xf32>
      %parallel_loop3A_145 = arith.mulf %parallel_loop3A_139, %parallel_loop3A_144 : vector<16xf32>
      %parallel_loop3A_146 = arith.addf %parallel_loop3A_81, %parallel_loop3A_145 : vector<16xf32>
      %parallel_loop3A_147 = arith.constant 80 : i32
      %parallel_loop3A_148 = arith.addi %parallel_loop3A_86, %parallel_loop3A_147 : i32
      %parallel_loop3A_149 = arith.index_cast %parallel_loop3A_148 : i32 to index
      %parallel_loop3A_150 = tpu.vector_load %arg5[%parallel_loop3A_149] {strides = array<i32>} : memref<8192xf32, #tpu.memory_space<vmem>>, vector<16xf32>,
      %parallel_loop3A_151 = vector.shape_cast %parallel_loop3A_150 : vector<16xf32> to vector<16xf32>
      %parallel_loop3A_152 = arith.constant 80 : i32
      %parallel_loop3A_153 = arith.addi %parallel_loop3A_86, %parallel_loop3A_152 : i32
      %parallel_loop3A_154 = arith.index_cast %parallel_loop3A_153 : i32 to index
      %parallel_loop3A_155 = tpu.vector_load %arg7[%parallel_loop3A_154] {strides = array<i32>} : memref<8192xf32, #tpu.memory_space<vmem>>, vector<16xf32>,
      %parallel_loop3A_156 = vector.shape_cast %parallel_loop3A_155 : vector<16xf32> to vector<16xf32>
      %parallel_loop3A_157 = arith.mulf %parallel_loop3A_151, %parallel_loop3A_156 : vector<16xf32>
      %parallel_loop3A_158 = arith.addf %parallel_loop3A_82, %parallel_loop3A_157 : vector<16xf32>
      %parallel_loop3A_159 = arith.constant 96 : i32
      %parallel_loop3A_160 = arith.addi %parallel_loop3A_86, %parallel_loop3A_159 : i32
      %parallel_loop3A_161 = arith.index_cast %parallel_loop3A_160 : i32 to index
      %parallel_loop3A_162 = tpu.vector_load %arg5[%parallel_loop3A_161] {strides = array<i32>} : memref<8192xf32, #tpu.memory_space<vmem>>, vector<16xf32>,
      %parallel_loop3A_163 = vector.shape_cast %parallel_loop3A_162 : vector<16xf32> to vector<16xf32>
      %parallel_loop3A_164 = arith.constant 96 : i32
      %parallel_loop3A_165 = arith.addi %parallel_loop3A_86, %parallel_loop3A_164 : i32
      %parallel_loop3A_166 = arith.index_cast %parallel_loop3A_165 : i32 to index
      %parallel_loop3A_167 = tpu.vector_load %arg7[%parallel_loop3A_166] {strides = array<i32>} : memref<8192xf32, #tpu.memory_space<vmem>>, vector<16xf32>,
      %parallel_loop3A_168 = vector.shape_cast %parallel_loop3A_167 : vector<16xf32> to vector<16xf32>
      %parallel_loop3A_169 = arith.mulf %parallel_loop3A_163, %parallel_loop3A_168 : vector<16xf32>
      %parallel_loop3A_170 = arith.addf %parallel_loop3A_83, %parallel_loop3A_169 : vector<16xf32>
      %parallel_loop3A_171 = arith.constant 112 : i32
      %parallel_loop3A_172 = arith.addi %parallel_loop3A_86, %parallel_loop3A_171 : i32
      %parallel_loop3A_173 = arith.index_cast %parallel_loop3A_172 : i32 to index
      %parallel_loop3A_174 = tpu.vector_load %arg5[%parallel_loop3A_173] {strides = array<i32>} : memref<8192xf32, #tpu.memory_space<vmem>>, vector<16xf32>,
      %parallel_loop3A_175 = vector.shape_cast %parallel_loop3A_174 : vector<16xf32> to vector<16xf32>
      %parallel_loop3A_176 = arith.constant 112 : i32
      %parallel_loop3A_177 = arith.addi %parallel_loop3A_86, %parallel_loop3A_176 : i32
      %parallel_loop3A_178 = arith.index_cast %parallel_loop3A_177 : i32 to index
      %parallel_loop3A_179 = tpu.vector_load %arg7[%parallel_loop3A_178] {strides = array<i32>} : memref<8192xf32, #tpu.memory_space<vmem>>, vector<16xf32>,
      %parallel_loop3A_180 = vector.shape_cast %parallel_loop3A_179 : vector<16xf32> to vector<16xf32>
      %parallel_loop3A_181 = arith.mulf %parallel_loop3A_175, %parallel_loop3A_180 : vector<16xf32>
      %parallel_loop3A_182 = arith.addf %parallel_loop3A_84, %parallel_loop3A_181 : vector<16xf32>
      scf.yield %parallel_loop3A_98, %parallel_loop3A_110, %parallel_loop3A_122, %parallel_loop3A_134, %parallel_loop3A_146, %parallel_loop3A_158, %parallel_loop3A_170, %parallel_loop3A_182 : vector<16xf32>, vector<16xf32>, vector<16xf32>, vector<16xf32>, vector<16xf32>, vector<16xf32>, vector<16xf32>, vector<16xf32>
    } {sc.loop_unroll_factor = 4 : i64, sc.parallel_access}
    %dma_wait3A_57 = tpu.memref_slice %arg2[%add3A_42] : memref<1048576xf32, #tpu.memory_space<hbm>> -> memref<8192xf32, #tpu.memory_space<hbm>>
    %dma_wait3A_58 = tpu.memref_slice %arg2[%add3A_42] : memref<1048576xf32, #tpu.memory_space<hbm>> -> memref<8192xf32, #tpu.memory_space<hbm>>
    tpu.wait_dma2 semaphore(%arg11 : memref<!tpu.dma_semaphore, #tpu.memory_space<semaphore_mem>>) src(%dma_wait3A_58 : memref<8192xf32, #tpu.memory_space<hbm>>) dst(%arg6 : memref<8192xf32, #tpu.memory_space<vmem>>)
    %dma_wait3A_59 = tpu.memref_slice %arg3[%add3A_46] : memref<1048576xf32, #tpu.memory_space<hbm>> -> memref<8192xf32, #tpu.memory_space<hbm>>
    %dma_wait3A_60 = tpu.memref_slice %arg3[%add3A_46] : memref<1048576xf32, #tpu.memory_space<hbm>> -> memref<8192xf32, #tpu.memory_space<hbm>>
    tpu.wait_dma2 semaphore(%arg11 : memref<!tpu.dma_semaphore, #tpu.memory_space<semaphore_mem>>) src(%dma_wait3A_60 : memref<8192xf32, #tpu.memory_space<hbm>>) dst(%arg8 : memref<8192xf32, #tpu.memory_space<vmem>>)
    %parallel_loop3A_61 = arith.constant 0 : i32
    %parallel_loop3A_62 = arith.constant 512 : i32
    %parallel_loop3A_63 = arith.constant 8 : i32
    %parallel_loop3A_64:8 = scf.for %parallel_loop3A_76 = %parallel_loop3A_61 to %parallel_loop3A_62 step %parallel_loop3A_63 iter_args(%parallel_loop3A_77 = %parallel_loop3A_56#0, %parallel_loop3A_78 = %parallel_loop3A_56#1, %parallel_loop3A_79 = %parallel_loop3A_56#2, %parallel_loop3A_80 = %parallel_loop3A_56#3, %parallel_loop3A_81 = %parallel_loop3A_56#4, %parallel_loop3A_82 = %parallel_loop3A_56#5, %parallel_loop3A_83 = %parallel_loop3A_56#6, %parallel_loop3A_84 = %parallel_loop3A_56#7) -> (vector<16xf32>, vector<16xf32>, vector<16xf32>, vector<16xf32>, vector<16xf32>, vector<16xf32>, vector<16xf32>, vector<16xf32>)  : i32 {
      %parallel_loop3A_85 = arith.constant 16 : i32
      %parallel_loop3A_86 = arith.muli %parallel_loop3A_76, %parallel_loop3A_85 : i32
      %parallel_loop3A_87 = arith.constant 0 : i32
      %parallel_loop3A_88 = arith.addi %parallel_loop3A_86, %parallel_loop3A_87 : i32
      %parallel_loop3A_89 = arith.index_cast %parallel_loop3A_88 : i32 to index
      %parallel_loop3A_90 = tpu.vector_load %arg6[%parallel_loop3A_89] {strides = array<i32>} : memref<8192xf32, #tpu.memory_space<vmem>>, vector<16xf32>,
      %parallel_loop3A_91 = vector.shape_cast %parallel_loop3A_90 : vector<16xf32> to vector<16xf32>
      %parallel_loop3A_92 = arith.constant 0 : i32
      %parallel_loop3A_93 = arith.addi %parallel_loop3A_86, %parallel_loop3A_92 : i32
      %parallel_loop3A_94 = arith.index_cast %parallel_loop3A_93 : i32 to index
      %parallel_loop3A_95 = tpu.vector_load %arg8[%parallel_loop3A_94] {strides = array<i32>} : memref<8192xf32, #tpu.memory_space<vmem>>, vector<16xf32>,
      %parallel_loop3A_96 = vector.shape_cast %parallel_loop3A_95 : vector<16xf32> to vector<16xf32>
      %parallel_loop3A_97 = arith.mulf %parallel_loop3A_91, %parallel_loop3A_96 : vector<16xf32>
      %parallel_loop3A_98 = arith.addf %parallel_loop3A_77, %parallel_loop3A_97 : vector<16xf32>
      %parallel_loop3A_99 = arith.constant 16 : i32
      %parallel_loop3A_100 = arith.addi %parallel_loop3A_86, %parallel_loop3A_99 : i32
      %parallel_loop3A_101 = arith.index_cast %parallel_loop3A_100 : i32 to index
      %parallel_loop3A_102 = tpu.vector_load %arg6[%parallel_loop3A_101] {strides = array<i32>} : memref<8192xf32, #tpu.memory_space<vmem>>, vector<16xf32>,
      %parallel_loop3A_103 = vector.shape_cast %parallel_loop3A_102 : vector<16xf32> to vector<16xf32>
      %parallel_loop3A_104 = arith.constant 16 : i32
      %parallel_loop3A_105 = arith.addi %parallel_loop3A_86, %parallel_loop3A_104 : i32
      %parallel_loop3A_106 = arith.index_cast %parallel_loop3A_105 : i32 to index
      %parallel_loop3A_107 = tpu.vector_load %arg8[%parallel_loop3A_106] {strides = array<i32>} : memref<8192xf32, #tpu.memory_space<vmem>>, vector<16xf32>,
      %parallel_loop3A_108 = vector.shape_cast %parallel_loop3A_107 : vector<16xf32> to vector<16xf32>
      %parallel_loop3A_109 = arith.mulf %parallel_loop3A_103, %parallel_loop3A_108 : vector<16xf32>
      %parallel_loop3A_110 = arith.addf %parallel_loop3A_78, %parallel_loop3A_109 : vector<16xf32>
      %parallel_loop3A_111 = arith.constant 32 : i32
      %parallel_loop3A_112 = arith.addi %parallel_loop3A_86, %parallel_loop3A_111 : i32
      %parallel_loop3A_113 = arith.index_cast %parallel_loop3A_112 : i32 to index
      %parallel_loop3A_114 = tpu.vector_load %arg6[%parallel_loop3A_113] {strides = array<i32>} : memref<8192xf32, #tpu.memory_space<vmem>>, vector<16xf32>,
      %parallel_loop3A_115 = vector.shape_cast %parallel_loop3A_114 : vector<16xf32> to vector<16xf32>
      %parallel_loop3A_116 = arith.constant 32 : i32
      %parallel_loop3A_117 = arith.addi %parallel_loop3A_86, %parallel_loop3A_116 : i32
      %parallel_loop3A_118 = arith.index_cast %parallel_loop3A_117 : i32 to index
      %parallel_loop3A_119 = tpu.vector_load %arg8[%parallel_loop3A_118] {strides = array<i32>} : memref<8192xf32, #tpu.memory_space<vmem>>, vector<16xf32>,
      %parallel_loop3A_120 = vector.shape_cast %parallel_loop3A_119 : vector<16xf32> to vector<16xf32>
      %parallel_loop3A_121 = arith.mulf %parallel_loop3A_115, %parallel_loop3A_120 : vector<16xf32>
      %parallel_loop3A_122 = arith.addf %parallel_loop3A_79, %parallel_loop3A_121 : vector<16xf32>
      %parallel_loop3A_123 = arith.constant 48 : i32
      %parallel_loop3A_124 = arith.addi %parallel_loop3A_86, %parallel_loop3A_123 : i32
      %parallel_loop3A_125 = arith.index_cast %parallel_loop3A_124 : i32 to index
      %parallel_loop3A_126 = tpu.vector_load %arg6[%parallel_loop3A_125] {strides = array<i32>} : memref<8192xf32, #tpu.memory_space<vmem>>, vector<16xf32>,
      %parallel_loop3A_127 = vector.shape_cast %parallel_loop3A_126 : vector<16xf32> to vector<16xf32>
      %parallel_loop3A_128 = arith.constant 48 : i32
      %parallel_loop3A_129 = arith.addi %parallel_loop3A_86, %parallel_loop3A_128 : i32
      %parallel_loop3A_130 = arith.index_cast %parallel_loop3A_129 : i32 to index
      %parallel_loop3A_131 = tpu.vector_load %arg8[%parallel_loop3A_130] {strides = array<i32>} : memref<8192xf32, #tpu.memory_space<vmem>>, vector<16xf32>,
      %parallel_loop3A_132 = vector.shape_cast %parallel_loop3A_131 : vector<16xf32> to vector<16xf32>
      %parallel_loop3A_133 = arith.mulf %parallel_loop3A_127, %parallel_loop3A_132 : vector<16xf32>
      %parallel_loop3A_134 = arith.addf %parallel_loop3A_80, %parallel_loop3A_133 : vector<16xf32>
      %parallel_loop3A_135 = arith.constant 64 : i32
      %parallel_loop3A_136 = arith.addi %parallel_loop3A_86, %parallel_loop3A_135 : i32
      %parallel_loop3A_137 = arith.index_cast %parallel_loop3A_136 : i32 to index
      %parallel_loop3A_138 = tpu.vector_load %arg6[%parallel_loop3A_137] {strides = array<i32>} : memref<8192xf32, #tpu.memory_space<vmem>>, vector<16xf32>,
      %parallel_loop3A_139 = vector.shape_cast %parallel_loop3A_138 : vector<16xf32> to vector<16xf32>
      %parallel_loop3A_140 = arith.constant 64 : i32
      %parallel_loop3A_141 = arith.addi %parallel_loop3A_86, %parallel_loop3A_140 : i32
      %parallel_loop3A_142 = arith.index_cast %parallel_loop3A_141 : i32 to index
      %parallel_loop3A_143 = tpu.vector_load %arg8[%parallel_loop3A_142] {strides = array<i32>} : memref<8192xf32, #tpu.memory_space<vmem>>, vector<16xf32>,
      %parallel_loop3A_144 = vector.shape_cast %parallel_loop3A_143 : vector<16xf32> to vector<16xf32>
      %parallel_loop3A_145 = arith.mulf %parallel_loop3A_139, %parallel_loop3A_144 : vector<16xf32>
      %parallel_loop3A_146 = arith.addf %parallel_loop3A_81, %parallel_loop3A_145 : vector<16xf32>
      %parallel_loop3A_147 = arith.constant 80 : i32
      %parallel_loop3A_148 = arith.addi %parallel_loop3A_86, %parallel_loop3A_147 : i32
      %parallel_loop3A_149 = arith.index_cast %parallel_loop3A_148 : i32 to index
      %parallel_loop3A_150 = tpu.vector_load %arg6[%parallel_loop3A_149] {strides = array<i32>} : memref<8192xf32, #tpu.memory_space<vmem>>, vector<16xf32>,
      %parallel_loop3A_151 = vector.shape_cast %parallel_loop3A_150 : vector<16xf32> to vector<16xf32>
      %parallel_loop3A_152 = arith.constant 80 : i32
      %parallel_loop3A_153 = arith.addi %parallel_loop3A_86, %parallel_loop3A_152 : i32
      %parallel_loop3A_154 = arith.index_cast %parallel_loop3A_153 : i32 to index
      %parallel_loop3A_155 = tpu.vector_load %arg8[%parallel_loop3A_154] {strides = array<i32>} : memref<8192xf32, #tpu.memory_space<vmem>>, vector<16xf32>,
      %parallel_loop3A_156 = vector.shape_cast %parallel_loop3A_155 : vector<16xf32> to vector<16xf32>
      %parallel_loop3A_157 = arith.mulf %parallel_loop3A_151, %parallel_loop3A_156 : vector<16xf32>
      %parallel_loop3A_158 = arith.addf %parallel_loop3A_82, %parallel_loop3A_157 : vector<16xf32>
      %parallel_loop3A_159 = arith.constant 96 : i32
      %parallel_loop3A_160 = arith.addi %parallel_loop3A_86, %parallel_loop3A_159 : i32
      %parallel_loop3A_161 = arith.index_cast %parallel_loop3A_160 : i32 to index
      %parallel_loop3A_162 = tpu.vector_load %arg6[%parallel_loop3A_161] {strides = array<i32>} : memref<8192xf32, #tpu.memory_space<vmem>>, vector<16xf32>,
      %parallel_loop3A_163 = vector.shape_cast %parallel_loop3A_162 : vector<16xf32> to vector<16xf32>
      %parallel_loop3A_164 = arith.constant 96 : i32
      %parallel_loop3A_165 = arith.addi %parallel_loop3A_86, %parallel_loop3A_164 : i32
      %parallel_loop3A_166 = arith.index_cast %parallel_loop3A_165 : i32 to index
      %parallel_loop3A_167 = tpu.vector_load %arg8[%parallel_loop3A_166] {strides = array<i32>} : memref<8192xf32, #tpu.memory_space<vmem>>, vector<16xf32>,
      %parallel_loop3A_168 = vector.shape_cast %parallel_loop3A_167 : vector<16xf32> to vector<16xf32>
      %parallel_loop3A_169 = arith.mulf %parallel_loop3A_163, %parallel_loop3A_168 : vector<16xf32>
      %parallel_loop3A_170 = arith.addf %parallel_loop3A_83, %parallel_loop3A_169 : vector<16xf32>
      %parallel_loop3A_171 = arith.constant 112 : i32
      %parallel_loop3A_172 = arith.addi %parallel_loop3A_86, %parallel_loop3A_171 : i32
      %parallel_loop3A_173 = arith.index_cast %parallel_loop3A_172 : i32 to index
      %parallel_loop3A_174 = tpu.vector_load %arg6[%parallel_loop3A_173] {strides = array<i32>} : memref<8192xf32, #tpu.memory_space<vmem>>, vector<16xf32>,
      %parallel_loop3A_175 = vector.shape_cast %parallel_loop3A_174 : vector<16xf32> to vector<16xf32>
      %parallel_loop3A_176 = arith.constant 112 : i32
      %parallel_loop3A_177 = arith.addi %parallel_loop3A_86, %parallel_loop3A_176 : i32
      %parallel_loop3A_178 = arith.index_cast %parallel_loop3A_177 : i32 to index
      %parallel_loop3A_179 = tpu.vector_load %arg8[%parallel_loop3A_178] {strides = array<i32>} : memref<8192xf32, #tpu.memory_space<vmem>>, vector<16xf32>,
      %parallel_loop3A_180 = vector.shape_cast %parallel_loop3A_179 : vector<16xf32> to vector<16xf32>
      %parallel_loop3A_181 = arith.mulf %parallel_loop3A_175, %parallel_loop3A_180 : vector<16xf32>
      %parallel_loop3A_182 = arith.addf %parallel_loop3A_84, %parallel_loop3A_181 : vector<16xf32>
      scf.yield %parallel_loop3A_98, %parallel_loop3A_110, %parallel_loop3A_122, %parallel_loop3A_134, %parallel_loop3A_146, %parallel_loop3A_158, %parallel_loop3A_170, %parallel_loop3A_182 : vector<16xf32>, vector<16xf32>, vector<16xf32>, vector<16xf32>, vector<16xf32>, vector<16xf32>, vector<16xf32>, vector<16xf32>
    } {sc.loop_unroll_factor = 4 : i64, sc.parallel_access}
    %add3A_65 = arith.addf %broadcast_in_dim3A_18, %parallel_loop3A_64#0 : vector<16xf32>
    %add3A_66 = arith.addf %add3A_65, %parallel_loop3A_64#1 : vector<16xf32>
    %add3A_67 = arith.addf %add3A_66, %parallel_loop3A_64#2 : vector<16xf32>
    %add3A_68 = arith.addf %add3A_67, %parallel_loop3A_64#3 : vector<16xf32>
    %add3A_69 = arith.addf %add3A_68, %parallel_loop3A_64#4 : vector<16xf32>
    %add3A_70 = arith.addf %add3A_69, %parallel_loop3A_64#5 : vector<16xf32>
    %add3A_71 = arith.addf %add3A_70, %parallel_loop3A_64#6 : vector<16xf32>
    %add3A_72 = arith.addf %add3A_71, %parallel_loop3A_64#7 : vector<16xf32>
    %swap3A = arith.constant 0 : index
    %swap3A_73 = tpu.vector_load %arg9[%swap3A] {strides = array<i32>} : memref<16xf32, #tpu.memory_space<vmem>>, vector<16xf32>,
    %swap3A_74 = vector.shape_cast %swap3A_73 : vector<16xf32> to vector<16xf32>
    %swap3A_75 = vector.shape_cast %add3A_72 : vector<16xf32> to vector<16xf32>
    tpu.vector_store %arg9[%swap3A], %swap3A_75 {strides = array<i32>} : memref<16xf32, #tpu.memory_space<vmem>>, vector<16xf32>,
    "tpu.region"() ({
      %run_scoped3A = tpu.sem_alloc : memref<!tpu.dma_semaphore, #tpu.memory_space<semaphore_mem>>
      %dma_start3A_76 = arith.constant 0 : i32
      %dma_start3A_77 = tpu.memref_slice %arg4[%add3A, %dma_start3A_76] : memref<32x16xf32, #tpu.memory_space<hbm>> -> memref<1x16xf32, #tpu.memory_space<hbm>>
      %dma_start3A_78 = tpu.memref_squeeze %dma_start3A_77 : memref<1x16xf32, #tpu.memory_space<hbm>> -> memref<16xf32, #tpu.memory_space<hbm>>
      %dma_start3A_79 = arith.constant 0 : i32
      %dma_start3A_80 = tpu.memref_slice %arg4[%add3A, %dma_start3A_79] : memref<32x16xf32, #tpu.memory_space<hbm>> -> memref<1x16xf32, #tpu.memory_space<hbm>>
      %dma_start3A_81 = tpu.memref_squeeze %dma_start3A_80 : memref<1x16xf32, #tpu.memory_space<hbm>> -> memref<16xf32, #tpu.memory_space<hbm>>
      tpu.enqueue_dma source(%arg9 : memref<16xf32, #tpu.memory_space<vmem>>) target(%dma_start3A_81 : memref<16xf32, #tpu.memory_space<hbm>>) target_semaphore(%run_scoped3A : memref<!tpu.dma_semaphore, #tpu.memory_space<semaphore_mem>>)
      %dma_wait3A_82 = arith.constant 0 : i32
      %dma_wait3A_83 = tpu.memref_slice %arg4[%add3A, %dma_wait3A_82] : memref<32x16xf32, #tpu.memory_space<hbm>> -> memref<1x16xf32, #tpu.memory_space<hbm>>
      %dma_wait3A_84 = tpu.memref_squeeze %dma_wait3A_83 : memref<1x16xf32, #tpu.memory_space<hbm>> -> memref<16xf32, #tpu.memory_space<hbm>>
      %dma_wait3A_85 = arith.constant 0 : i32
      %dma_wait3A_86 = tpu.memref_slice %arg4[%add3A, %dma_wait3A_85] : memref<32x16xf32, #tpu.memory_space<hbm>> -> memref<1x16xf32, #tpu.memory_space<hbm>>
      %dma_wait3A_87 = tpu.memref_squeeze %dma_wait3A_86 : memref<1x16xf32, #tpu.memory_space<hbm>> -> memref<16xf32, #tpu.memory_space<hbm>>
      tpu.wait_dma2 semaphore(%run_scoped3A : memref<!tpu.dma_semaphore, #tpu.memory_space<semaphore_mem>>) src(%arg9 : memref<16xf32, #tpu.memory_space<vmem>>) dst(%dma_wait3A_87 : memref<16xf32, #tpu.memory_space<hbm>>)
      tpu.yield
    }) : () -> ()
    return
  }
}

</mosaic_0001>

<sc_bundles>
// kernel: kernel.3.cloned.1.call-start
scs
__scs_entry_jumppad:
0x0: {  	(pc) =	sbr.rel $0x88, $3  }
0x1: {  	(tag) =	ssettag $0x0;
	lr =	simm.s32 $0x1  }
0x2: {  	[smem:$0x3F9F] =	sst lr;
	_ =	strace $0xD0000000  }
0x3: {  	_ = 	snop  }
0x4: {  	_ = 	snop  }
0x5: {  	_ = 	snop  }
0x6: {  	_ = 	snop  }
0x7: {  	_ = 	snop  }
__scs_overlays_trampoline_lowered:
0x8: {  	[smem:$0x3FAE] =	sst s0  }
0x9: {  	[smem:$0x3FAF] =	sst s1  }
0xa: {  	[smem:$0x3FB0] =	sst s2  }
0xb: {  	[smem:$0x3FB1] =	sst s3  }
0xc: {  	[smem:$0x3FB2] =	sst s4  }
0xd: {  	[smem:$0x3FB3] =	sst s5  }
0xe: {  	[smem:$0x3FB4] =	sst s6  }
0xf: {  	[smem:$0x3FB5] =	sst s7  }
0x10: {  	[smem:$0x3FB6] =	sst s8  }
0x11: {  	[smem:$0x3FB7] =	sst s9;
	s0 =	simm.s32 @!p0 $0x0  }
0x12: {  	s1 =	sld [smem:$0x3F9D];
	s0 =	simm.s32 @p0 $0x1  }
0x13: {  	[smem:$0x3FB8] =	sst s0;
	s0 =	simm.s32 @!p1 $0x0  }
0x14: {  	s2 =	sld [smem:$0x3F9C];
	s0 =	simm.s32 @p1 $0x1  }
0x15: {  	[smem:$0x3FB9] =	sst s0;
	s0 =	simm.s32 @!p2 $0x0  }
0x16: {  	s3 =	sld [smem:$0x3FDB];
	s0 =	simm.s32 @p2 $0x1  }
0x17: {  	s4 =	simm.s32 $0x1BF5;
	[smem:$0x3FBB] =	sst s0  }
0x18: {  	s0 =	sld [smem:$0x3F9E];
	_ =	swait.ge [sflag:s4], $0x0  }
0x19: {  	s7 =	sld [smem:$0x3F9F]  }
0x1a: {  	s8 =	sadd.s32 $0xFFFFE003, lr  }
0x1b: {  	s9 =	sadd.s32 $0xFFFFFEF7, lr;
	s5 =	simm.s32 $0xFFFFFFFF;
	p2 =	slt.u32 s8, $0xFFFFF086  }
0x1c: {  	p1 =	slt.u32 s9, $0xF7A;
	s5 =	simm.s32 @!p2 $0x0  }
0x1d: {  	s5 =	simm.s32 @p1 $0x1;
	p0 =	seq.s32 s7, s2  }
0x1e: {  	s7 =	smul.u32 @!p0 $0xF7A, s2;
	p2 =	seq.s32 @!p0 s5, $0x0  }
0x1f: {  	s9 =	smul.u32 $0xF7A, s1;
	s8 =	simm.s32 @!p0 $0x1BF5;
	p2 =	por !p2, p0  }
0x20: {  	[sflag:s8] =	ssyncset.s32 @!p0 $0xFFFFF086;
	s6 =	sadd.s32 @!p0 s3, s7;
	s7 =	simm.s32 @!p0 $0x108  }
0x21: {  	s3 =	sadd.s32 s3, s9;
	s6 =	sadd.s32 @!p0 $0x88, s6;
	s7 =	simm.s32 @p2 $0x1082  }
0x22: {  	[simem:s7], [sflag:s8] =	dma.local @!p0 [hbm:s6], $0xF7A  }
0x23: {  	s9 =	sor.u32 $0xD0000000, s2;
	s6 =	simm.s32 $0x108;
	_ =	swait.ge @!p0 [sflag:s8], $0x0  }
0x24: {  	s3 =	sadd.s32 $0x88, s3;
	s6 =	simm.s32 @!p1 $0x1082;
	[sflag:s4] =	ssyncset.s32 $0xFFFFF086  }
0x25: {  	[simem:s6], [sflag:s4] =	dma.local [hbm:s3], $0xF7A  }
0x26: {  	[smem:$0x3F9F] =	sst s1;
	(tag) =	ssettag s2;
	_ =	strace s9  }
0x27: {  	s1 =	sld [smem:$0x3FAF]  }
0x28: {  	s2 =	sld [smem:$0x3FB0]  }
0x29: {  	s4 =	sld [smem:$0x3FB2]  }
0x2a: {  	p0 =	seq.s32 s5, $0x0;
	s5 =	sld [smem:$0x3FB3]  }
0x2b: {  	s6 =	sld [smem:$0x3FB4]  }
0x2c: {  	s7 =	sld [smem:$0x3FB5]  }
0x2d: {  	s3 =	simm.s32 $0x108;
	s8 =	sld [smem:$0x3FB6]  }
0x2e: {  	s3 =	simm.s32 @!p0 $0x1082;
	s9 =	sld [smem:$0x3FB7]  }
0x2f: {  	lr =	sadd.s32 s0, s3;
	s0 =	sld [smem:$0x3FAE]  }
0x30: {  	s3 =	sld [smem:$0x3FB1]  }
0x31: {  	[smem:$0x3FBA] =	sst s10  }
0x32: {  	s10 =	sld [smem:$0x3FB8];
	_ =	sdelay $0x3  }
0x33: {  	p0 =	seq.s32 s10, $0x1;
	s10 =	sld [smem:$0x3FBA];
	_ =	sdelay $0x3  }
0x34: {  	[smem:$0x3FBA] =	sst s10  }
0x35: {  	s10 =	sld [smem:$0x3FB9];
	_ =	sdelay $0x3  }
0x36: {  	p1 =	seq.s32 s10, $0x1;
	s10 =	sld [smem:$0x3FBA];
	_ =	sdelay $0x3  }
0x37: {  	[smem:$0x3FBA] =	sst s10  }
0x38: {  	s10 =	sld [smem:$0x3FBB]  }
0x39: {  	_ = 	snop;
	(pc) =	sbr.ind lr, $3  }
0x3a: {  	_ = 	snop  }
0x3b: {  	_ = 	snop  }
0x3c: {  	p2 =	seq.s32 s10, $0x1;
	s10 =	sld [smem:$0x3FBA]  }
0x3d: {  	_ =	shalt  }
0x3e: {  	_ =	shalt  }
0x3f: {  	_ =	shalt  }
0x40: {  	_ =	shalt  }
0x41: {  	_ =	shalt  }
0x42: {  	_ =	shalt  }
0x43: {  	_ =	shalt  }
0x44: {  	_ =	shalt  }
0x45: {  	_ =	shalt  }
0x46: {  	_ =	shalt  }
0x47: {  	_ =	shalt  }
0x48: {  	_ =	shalt  }
0x49: {  	_ =	shalt  }
0x4a: {  	_ =	shalt  }
0x4b: {  	_ =	shalt  }
0x4c: {  	_ =	shalt  }
0x4d: {  	_ =	shalt  }
0x4e: {  	_ =	shalt  }
0x4f: {  	_ =	shalt  }
0x50: {  	_ =	shalt  }
0x51: {  	_ =	shalt  }
0x52: {  	_ =	shalt  }
0x53: {  	_ =	shalt  }
0x54: {  	_ =	shalt  }
0x55: {  	_ =	shalt  }
0x56: {  	_ =	shalt  }
0x57: {  	_ =	shalt  }
0x58: {  	_ =	shalt  }
0x59: {  	_ =	shalt  }
0x5a: {  	_ =	shalt  }
0x5b: {  	_ =	shalt  }
0x5c: {  	_ =	shalt  }
0x5d: {  	_ =	shalt  }
0x5e: {  	_ =	shalt  }
0x5f: {  	_ =	shalt  }
0x60: {  	_ =	shalt  }
0x61: {  	_ =	shalt  }
0x62: {  	_ =	shalt  }
0x63: {  	_ =	shalt  }
0x64: {  	_ =	shalt  }
0x65: {  	_ =	shalt  }
0x66: {  	_ =	shalt  }
0x67: {  	_ =	shalt  }
0x68: {  	_ =	shalt  }
0x69: {  	_ =	shalt  }
0x6a: {  	_ =	shalt  }
0x6b: {  	_ =	shalt  }
0x6c: {  	_ =	shalt  }
0x6d: {  	_ =	shalt  }
0x6e: {  	_ =	shalt  }
0x6f: {  	_ =	shalt  }
0x70: {  	_ =	shalt  }
0x71: {  	_ =	shalt  }
0x72: {  	_ =	shalt  }
0x73: {  	_ =	shalt  }
0x74: {  	_ =	shalt  }
0x75: {  	_ =	shalt  }
0x76: {  	_ =	shalt  }
0x77: {  	_ =	shalt  }
0x78: {  	_ =	shalt  }
0x79: {  	_ =	shalt  }
0x7a: {  	_ =	shalt  }
0x7b: {  	_ =	shalt  }
0x7c: {  	_ =	shalt  }
0x7d: {  	_ =	shalt  }
0x7e: {  	_ =	shalt  }
0x7f: {  	_ =	shalt  }
0x80: {  	_ =	shalt  }
0x81: {  	_ =	shalt  }
0x82: {  	_ =	shalt  }
0x83: {  	_ =	shalt  }
0x84: {  	_ =	shalt  }
0x85: {  	_ =	shalt  }
0x86: {  	_ =	shalt  }
0x87: {  	_ =	shalt  }
.Lfunc_end0:
.L_simem_size_0:
called_computation_lowered:
.L_overlay_start_0:
0x88: {  	s2 =	sld [smem:$0x3FD9]  }
0x89: {  	s3 =	sld [smem:$0x3FFE];
	_ =	sdelay $0x1  }
0x8a: {  	s1 =	srdreg.scid  }
0x8b: {  	s0 =	sand.u32 $0x1, s1  }
0x8c: {  	s17 =	sshll.u32 s0, $0xA;
	s2 =	sadd.s32 s3, s2  }
0x8d: {  	s2 =	sadd.s32 s2, s17  }
0x8e: {  	[smem:$0x3FC6] =	sst s2  }
0x8f: {  	_ = 	snop  }
0x90: {  	s2 =	sld [smem:$0x3FC9]  }
0x91: {  	s18 =	sld [smem:$0x3FC8];
	(tm) =	ssettm $0x1  }
0x92: {  	s4 =	sld [smem:$0x3FFB];
	_ =	sdelay $0x3  }
0x93: {  	_ =	strace s4  }
0x94: {  	s4 =	sld [smem:$0x3FFC];
	_ =	sdelay $0x3  }
0x95: {  	_ =	strace s4  }
0x96: {  	s4 =	sld [smem:$0x3FFD];
	_ =	sdelay $0x3  }
0x97: {  	_ =	strace s4  }
0x98: {  	_ =	strace $0x8FFFFFFF  }
0x99: {  	s19 =	sld [smem:$0x3FDB];
	_ =	sdelay $0x1  }
0x9a: {  	s5 =	simm.s32 $_scs_section_size  }
0x9b: {  	s6 =	simm.s32 $_size__tile_overlayer_lowered;
	s7 =	simm.s32 $_tile_overlayer_lowered  }
0x9c: {  	s22 =	simm.s32 $0x1BFF;
	s21 =	sshll.u32 s7, $0x1;
	s4 =	sadd.s32 s5, s19  }
0x9d: {  	s8 =	simm.s32 $0x0;
	s20 =	sshll.u32 s6, $0x1;
	s6 =	sadd.s32 s21, s4  }
0x9e: {  	[timem:s8], [sflag:s22] =	dma.local [hbm:s6], s20  }
0x9f: {  	_ =	swait.ge [sflag:s22], s20  }
0xa0: {  	s5 =	ssub.s32 $0x0, s20;
	[sflag:s22] =	ssyncset.done $0x0  }
0xa1: {  	[sflag:s22] =	ssyncadd.s32 s5;
	_ =	sdelay $0x1  }
0xa2: {  	s23 =	simm.s32 $0x1B8B  }
0xa3: {  	_ =	swait.ge [sflag:s23], $0x1  }
0xa4: {  	[sflag:s23] =	ssyncset.done $0x0  }
0xa5: {  	s25 =	simm.s32 $0x1B8E;
	s24 =	sld [smem:$0x3FFE];
	[sflag:s23] =	ssyncadd.s32 $0xFFFFFFFF  }
0xa6: {  	s26 =	simm.s32 $execute0_lowered;
	[smem:$0x3FD2] =	sst s25  }
0xa7: {  	s6 =	sshll.u32 s26, $0x1;
	_ =	strace $0x80000046;
	[dreg:$0x1] =	wrdreg $0xFFFFFFFF  }
0xa8: {  	s28 =	simm.s32 $_size_execute0_lowered;
	s4 =	sadd.s32 s4, s6;
	[dreg:$0x0] =	wrdreg $0x0  }
0xa9: {  	s6 =	sshll.u32 s28, $0x1;
	[dreg:$0x2] =	wrdreg s4  }
0xaa: {  	[dreg:$0x3] =	wrdreg s6  }
0xab: {  	[dreg:$0x4] =	wrdreg $0xC0  }
0xac: {  	_ =	task [dreg:s8], $0x5FFFF  }
0xad: {  	[dreg:$0x1] =	wrdreg $0xFFFFFFFF  }
0xae: {  	[dreg:$0x0] =	wrdreg $0x60  }
0xaf: {  	[dreg:$0x2] =	wrdreg s2  }
0xb0: {  	[dreg:$0x3] =	wrdreg s18  }
0xb1: {  	[dreg:$0x4] =	wrdreg s24  }
0xb2: {  	[dreg:$0x5] =	wrdreg $0x9  }
0xb3: {  	_ =	task.clear_ibuf [dreg:s8], $0x6FFFF;
	_ =	strace $0x90000046  }
0xb4: {  	s29 =	simm.s32 $0x9;
	_ =	strace $0x80000048  }
0xb5: {  	_ =	swait.ge [sflag:s29], $0x1  }
0xb6: {  	[sflag:s29] =	ssyncadd.s32 $0xFFFFFFFF  }
0xb7: {  	_ =	strace $0x90000048  }
0xb8: {  	_ =	sfence  }
0xb9: {  	s30 =	sld [smem:$0x0];
	_ =	sdelay $0x2  }
0xba: {  	s31 =	sshll.u32 s1, $0xD;
	s1 =	sshrl.u32 s1, $0x2  }
0xbb: {  	s3 =	sand.u32 $0x4000, s31;
	s1 =	sadd.s32 s1, s30  }
0xbc: {  	s0 =	sor.u32 s3, s0;
	s1 =	sshll.u32 s1, $0x11  }
0xbd: {  	s0 =	sor.u32 s1, s0  }
0xbe: {  	s0 =	sadd.s32 $0x8F2B, s0  }
0xbf: {  	[sflag:s0] =	ssyncadd.remote.s32 $0x1  }
0xc0: {  	_ =	sfence.sel $0xFFFF  }
0xc1: {  	[dreg:$0x0] =	wrdreg $0xFFFFFFFF;
	(pc) =	sbr.abs _section_cstart, $3  }
0xc2: {  	[dreg:$0x1] =	wrdreg $0xFFFFFFFF  }
0xc3: {  	_ =	task.clear_ibuf [dreg:s8], $0x2FFFF;
	_ =	strace $0x9FFFFFFF  }
0xc4: {  	(tm) =	ssettm $0x7FFFFFFF  }
0xc5: {  	_ =	shalt  }
tec
execute0_lowered:
.L_overlay_start_1:
0x0: {  	(tag) =	ssettag $0x1  }
0x1: {  	s9 =	rddreg [dreg:$0x0]  }
0x2: {  	s10 =	rddreg [dreg:$0x1]  }
0x3: {  	s11 =	rddreg [dreg:$0x2]  }
0x4: {  	s2 =	srdreg.scid;
	s1 =	stileid.u32  }
0x5: {  	s0 =	rddreg [dreg:$0x3];
	s15 =	simm.s32 $0x6000;
	s16 =	simm.s32 $0x1  }
0x6: {  	s17 =	simm.s32 $0x2;
	s18 =	simm.s32 $0x8000;
	s19 =	simm.s32 $0x3  }
0x7: {  	s20 =	simm.s32 $0x0;
	s3 =	sand.u32 $0x1, s2;
	s4 =	sshll.u32 s1, $0x1  }
0x8: {  	s2 =	simm.s32 $0x0;
	s5 =	ssub.s32 $0x2, s3;
	s12 =	sor.u32 s3, s4  }
0x9: {  	[smem:$0x7FF] =	sst s2;
	s31 =	sshrl.u32 s5, $0x1;
	s13 =	sshll.u32 s12, $0xC  }
0xa: {  	_ =	strace $0x80000047;
	s12 =	sshll.u32 s12, $0x4;
	s14 =	ssub.s32 s5, s31  }
0xb: {  	s3 =	sadd.s32 s9, s13;
	s4 =	sadd.s32 s10, s13;
	s6 =	sor.u32 $0x400, s13  }
0xc: {  	s8 =	sor.u32 $0x800, s13;
	s13 =	sor.u32 $0xC00, s13;
	s11 =	sadd.s32 s11, s12  }
0xd: {  	s5 =	sadd.s32 s9, s6;
	s6 =	sadd.s32 s10, s6;
	s7 =	sadd.s32 s9, s8  }
0xe: {  	s8 =	sadd.s32 s10, s8;
	s9 =	sadd.s32 s9, s13;
	s10 =	sadd.s32 s10, s13  }
0xf: {  	s12 =	smax.u32 s14, $0x1;
	s13 =	simm.s32 $0x4000;
	s14 =	simm.s32 $0x2000  }
.LBB2_1:
0x10: {  	[tilespmem:s2], [sflag:$0x1] =	stream.linear.gather [hbm4b:s3+s2], $0x2000, $0x38;
	[tilespmem:$0x8080] =	vst v63  }
0x11: {  	_ = 	snop  }
0x12: {  	[tilespmem:s13], [sflag:$0x1] =	stream.linear.gather [hbm4b:s4+s2], $0x2000, $0x38;
	[tilespmem:$0x8080] =	vst v63  }
0x13: {  	_ = 	snop  }
0x14: {  	[tilespmem:s14], [sflag:$0x2] =	stream.linear.gather [hbm4b:s5+s2], $0x2000, $0x38;
	[tilespmem:$0x8080] =	vst v63  }
0x15: {  	_ = 	snop  }
0x16: {  	[tilespmem:s15], [sflag:$0x2] =	stream.linear.gather [hbm4b:s6+s2], $0x2000, $0x38;
	[tilespmem:$0x8080] =	vst v63  }
0x17: {  	_ =	swait.ge [sflag:s16], $0x2000  }
0x18: {  	[sflag:s16] =	ssyncset.done $0x0  }
0x19: {  	[sflag:s16] =	ssyncadd.s32 $0xFFFFE000  }
0x1a: {  	_ =	swait.ge [sflag:s16], $0x2000  }
0x1b: {  	[sflag:s16] =	ssyncset.done $0x0  }
0x1c: {  	s23 =	simm.s32 $0x40;
	[sflag:s16] =	ssyncadd.s32 $0xFFFFE000  }
0x1d: {  	s21 =	simm.s32 $0x4040;
	v0 =	vld [tilespmem:s23+$0x30]  }
0x1e: {  	v1 =	vld [tilespmem:s21+$0x30]  }
0x1f: {  	v2 =	vld [tilespmem:s23+$0xFFFFFFD0]  }
0x20: {  	v3 =	vld [tilespmem:s21+$0xFFFFFFD0]  }
0x21: {  	v4 =	vld [tilespmem:s23+$0xFFFFFFE0]  }
0x22: {  	v6 =	vld [tilespmem:s21+$0xFFFFFFE0]  }
0x23: {  	v8 =	vld [tilespmem:s23+$0xFFFFFFF0]  }
0x24: {  	v9 =	vld [tilespmem:s21+$0xFFFFFFF0]  }
0x25: {  	v13 =	vld [tilespmem:s23+$0x0]  }
0x26: {  	v15 =	vld [tilespmem:s21+$0x0];
	_ =	sdelay $0x1  }
0x27: {  	v7 =	vld [tilespmem:s21+$0xFFFFFFC0]  }
0x28: {  	v10 =	vld [tilespmem:s23+$0x10];
	v0 =	vmul.f32 v1, v0  }
0x29: {  	v5 =	vimm.f32 $0.0e+00;
	v12 =	vld [tilespmem:s21+$0x10];
	v1 =	vmul.f32 v3, v2;
	v4 =	vmul.f32 v6, v4  }
0x2a: {  	v11 =	vld [tilespmem:s23+$0x20];
	v6 =	vmul.f32 v9, v8;
	v15 =	vmul.f32 v15, v13;
	v9 =	vimm.f32 $0.0e+00  }
0x2b: {  	v14 =	vld [tilespmem:s21+$0x20];
	v8 =	vimm.f32 $0.0e+00;
	v2 =	vadd.f32 v0, v5;
	v3 =	vadd.f32 v1, v5  }
0x2c: {  	s22 =	simm.s32 $0x0;
	v13 =	vld [tilespmem:s23+$0xFFFFFFC0];
	s23 =	simm.s32 $0xC0;
	v0 =	vadd.f32 v4, v5;
	v1 =	vadd.f32 v6, v5;
	v6 =	vimm.f32 $0.0e+00  }
.LBB2_2:
0x2d: {  	v4 =	vld [tilespmem:s23+$0x30];
	s21 =	sadd.s32 $0x80, s21  }
0x2e: {  	s22 =	sadd.s32 $0x8, s22;
	v16 =	vld [tilespmem:s21+$0x30];
	v5 =	vadd.f32 v15, v5;
	v10 =	vmul.f32 v12, v10  }
0x2f: {  	p0 =	slt.u32 s22, $0x1F8;
	v12 =	vld [tilespmem:s21+$0xFFFFFFC0]  }
0x30: {  	v15 =	vld [tilespmem:s23+$0xFFFFFFD0];
	v6 =	vadd.f32 v10, v6;
	v10 =	vmul.f32 v14, v11  }
0x31: {  	v11 =	vld [tilespmem:s21+$0xFFFFFFD0];
	v17 =	vmul.f32 v7, v13  }
0x32: {  	v13 =	vld [tilespmem:s23+$0xFFFFFFE0];
	v9 =	vadd.f32 v10, v9  }
0x33: {  	v10 =	vld [tilespmem:s21+$0xFFFFFFE0];
	v4 =	vmul.f32 v16, v4;
	v8 =	vadd.f32 v17, v8  }
0x34: {  	v14 =	vld [tilespmem:s23+$0xFFFFFFF0];
	v7 =	vmov v12  }
0x35: {  	v16 =	vld [tilespmem:s21+$0xFFFFFFF0];
	v2 =	vadd.f32 v4, v2  }
0x36: {  	v4 =	vmul.f32 v11, v15;
	v15 =	vld [tilespmem:s23+$0x0]  }
0x37: {  	v17 =	vld [tilespmem:s21+$0x0]  }
.Ltmp0:
0x38: {  	v3 =	vadd.f32 v4, v3;
	v4 =	vmul.f32 v10, v13;
	v10 =	vld [tilespmem:s23+$0x10];
	(pc) =	sbr.rel @p0 .LBB2_2-.Ltmp0, $4  }
0x39: {  	v12 =	vld [tilespmem:s21+$0x10]  }
0x3a: {  	v0 =	vadd.f32 v4, v0;
	v4 =	vmul.f32 v16, v14;
	v11 =	vld [tilespmem:s23+$0x20]  }
0x3b: {  	v14 =	vld [tilespmem:s21+$0x20]  }
0x3c: {  	v13 =	vld [tilespmem:s23+$0xFFFFFFC0];
	v1 =	vadd.f32 v4, v1;
	v15 =	vmul.f32 v17, v15;
	s23 =	sadd.s32 $0x80, s23  }
0x3d: {  	[tilespmem:s2], [sflag:$0x1] =	stream.linear.gather [hbm4b:s7+s2], $0x2000, $0x38;
	[tilespmem:$0x8080] =	vst v63  }
0x3e: {  	_ = 	snop  }
0x3f: {  	[tilespmem:s13], [sflag:$0x1] =	stream.linear.gather [hbm4b:s8+s2], $0x2000, $0x38;
	[tilespmem:$0x8080] =	vst v63  }
0x40: {  	_ =	swait.ge [sflag:s17], $0x2000  }
0x41: {  	[sflag:s17] =	ssyncset.done $0x0  }
0x42: {  	[sflag:s17] =	ssyncadd.s32 $0xFFFFE000  }
0x43: {  	_ =	swait.ge [sflag:s17], $0x2000  }
0x44: {  	[sflag:s17] =	ssyncset.done $0x0  }
0x45: {  	s23 =	simm.s32 $0x2040;
	[sflag:s17] =	ssyncadd.s32 $0xFFFFE000  }
0x46: {  	s21 =	simm.s32 $0x6040;
	v16 =	vld [tilespmem:s23+$0x30]  }
0x47: {  	v17 =	vld [tilespmem:s21+$0x30]  }
0x48: {  	v4 =	vld [tilespmem:s21+$0xFFFFFFC0]  }
0x49: {  	v18 =	vld [tilespmem:s23+$0xFFFFFFD0]  }
0x4a: {  	v19 =	vld [tilespmem:s21+$0xFFFFFFD0]  }
0x4b: {  	v20 =	vld [tilespmem:s23+$0xFFFFFFE0]  }
0x4c: {  	v21 =	vld [tilespmem:s21+$0xFFFFFFE0]  }
0x4d: {  	v22 =	vld [tilespmem:s23+$0xFFFFFFF0]  }
0x4e: {  	v23 =	vld [tilespmem:s21+$0xFFFFFFF0]  }
0x4f: {  	v10 =	vmul.f32 v12, v10;
	v24 =	vld [tilespmem:s23+$0x0]  }
0x50: {  	v11 =	vmul.f32 v14, v11;
	v25 =	vld [tilespmem:s21+$0x0]  }
0x51: {  	v5 =	vadd.f32 v15, v5;
	v6 =	vadd.f32 v10, v6;
	v13 =	vmul.f32 v7, v13;
	v10 =	vld [tilespmem:s23+$0x10]  }
0x52: {  	v7 =	vadd.f32 v11, v9;
	v12 =	vld [tilespmem:s21+$0x10];
	v9 =	vmul.f32 v17, v16;
	v14 =	vmul.f32 v19, v18  }
0x53: {  	v8 =	vadd.f32 v13, v8;
	v11 =	vld [tilespmem:s23+$0x20];
	v13 =	vmul.f32 v21, v20;
	v15 =	vmul.f32 v23, v22  }
0x54: {  	v2 =	vadd.f32 v9, v2;
	v3 =	vadd.f32 v14, v3;
	v14 =	vld [tilespmem:s21+$0x20]  }
0x55: {  	s22 =	simm.s32 $0x0;
	v9 =	vadd.f32 v13, v0;
	v13 =	vld [tilespmem:s23+$0xFFFFFFC0];
	v1 =	vadd.f32 v15, v1;
	v15 =	vmul.f32 v25, v24;
	s23 =	simm.s32 $0x20C0  }
.LBB2_4:
0x56: {  	v0 =	vld [tilespmem:s23+$0x30];
	s21 =	sadd.s32 $0x80, s21  }
0x57: {  	s22 =	sadd.s32 $0x8, s22;
	v16 =	vld [tilespmem:s21+$0x30];
	v5 =	vadd.f32 v15, v5;
	v10 =	vmul.f32 v12, v10  }
0x58: {  	p0 =	slt.u32 s22, $0x1F8;
	v12 =	vld [tilespmem:s21+$0xFFFFFFC0]  }
0x59: {  	v15 =	vld [tilespmem:s23+$0xFFFFFFD0];
	v6 =	vadd.f32 v10, v6;
	v10 =	vmul.f32 v14, v11  }
0x5a: {  	v11 =	vld [tilespmem:s21+$0xFFFFFFD0];
	v17 =	vmul.f32 v4, v13  }
0x5b: {  	v13 =	vld [tilespmem:s23+$0xFFFFFFE0];
	v7 =	vadd.f32 v10, v7  }
0x5c: {  	v10 =	vld [tilespmem:s21+$0xFFFFFFE0];
	v0 =	vmul.f32 v16, v0;
	v8 =	vadd.f32 v17, v8  }
0x5d: {  	v14 =	vld [tilespmem:s23+$0xFFFFFFF0];
	v4 =	vmov v12  }
0x5e: {  	v16 =	vld [tilespmem:s21+$0xFFFFFFF0];
	v2 =	vadd.f32 v0, v2  }
0x5f: {  	v0 =	vmul.f32 v11, v15;
	v15 =	vld [tilespmem:s23+$0x0]  }
0x60: {  	v17 =	vld [tilespmem:s21+$0x0]  }
.Ltmp1:
0x61: {  	v3 =	vadd.f32 v0, v3;
	v0 =	vmul.f32 v10, v13;
	v10 =	vld [tilespmem:s23+$0x10];
	(pc) =	sbr.rel @p0 .LBB2_4-.Ltmp1, $4  }
0x62: {  	v12 =	vld [tilespmem:s21+$0x10]  }
0x63: {  	v9 =	vadd.f32 v0, v9;
	v0 =	vmul.f32 v16, v14;
	v11 =	vld [tilespmem:s23+$0x20]  }
0x64: {  	v14 =	vld [tilespmem:s21+$0x20]  }
0x65: {  	v13 =	vld [tilespmem:s23+$0xFFFFFFC0];
	v1 =	vadd.f32 v0, v1;
	v15 =	vmul.f32 v17, v15;
	s23 =	sadd.s32 $0x80, s23  }
0x66: {  	[tilespmem:s14], [sflag:$0x2] =	stream.linear.gather [hbm4b:s9+s2], $0x2000, $0x38;
	[tilespmem:$0x8080] =	vst v63  }
0x67: {  	_ = 	snop  }
0x68: {  	[tilespmem:s15], [sflag:$0x2] =	stream.linear.gather [hbm4b:s10+s2], $0x2000, $0x38;
	[tilespmem:$0x8080] =	vst v63  }
0x69: {  	_ =	swait.ge [sflag:s16], $0x2000  }
0x6a: {  	[sflag:s16] =	ssyncset.done $0x0  }
0x6b: {  	[sflag:s16] =	ssyncadd.s32 $0xFFFFE000  }
0x6c: {  	_ =	swait.ge [sflag:s16], $0x2000  }
0x6d: {  	[sflag:s16] =	ssyncset.done $0x0  }
0x6e: {  	s23 =	simm.s32 $0x40;
	[sflag:s16] =	ssyncadd.s32 $0xFFFFE000  }
0x6f: {  	s21 =	simm.s32 $0x4040;
	v16 =	vld [tilespmem:s23+$0x30]  }
0x70: {  	v17 =	vld [tilespmem:s21+$0x30]  }
0x71: {  	v0 =	vld [tilespmem:s21+$0xFFFFFFC0]  }
0x72: {  	v18 =	vld [tilespmem:s23+$0xFFFFFFD0]  }
0x73: {  	v19 =	vld [tilespmem:s21+$0xFFFFFFD0]  }
0x74: {  	v20 =	vld [tilespmem:s23+$0xFFFFFFE0]  }
0x75: {  	v21 =	vld [tilespmem:s21+$0xFFFFFFE0]  }
0x76: {  	v22 =	vld [tilespmem:s23+$0xFFFFFFF0]  }
0x77: {  	v23 =	vld [tilespmem:s21+$0xFFFFFFF0]  }
0x78: {  	v10 =	vmul.f32 v12, v10;
	v24 =	vld [tilespmem:s23+$0x0]  }
0x79: {  	v12 =	vmul.f32 v14, v11;
	v25 =	vld [tilespmem:s21+$0x0]  }
0x7a: {  	v5 =	vadd.f32 v15, v5;
	v6 =	vadd.f32 v10, v6;
	v10 =	vmul.f32 v4, v13;
	v11 =	vld [tilespmem:s23+$0x10]  }
0x7b: {  	v4 =	vadd.f32 v12, v7;
	v13 =	vld [tilespmem:s21+$0x10];
	v14 =	vmul.f32 v17, v16;
	v15 =	vmul.f32 v19, v18  }
0x7c: {  	v7 =	vadd.f32 v10, v8;
	v12 =	vld [tilespmem:s23+$0x20];
	v8 =	vmul.f32 v21, v20;
	v10 =	vmul.f32 v23, v22  }
0x7d: {  	v2 =	vadd.f32 v14, v2;
	v3 =	vadd.f32 v15, v3;
	v15 =	vld [tilespmem:s21+$0x20]  }
0x7e: {  	s22 =	simm.s32 $0x0;
	v8 =	vadd.f32 v8, v9;
	v14 =	vld [tilespmem:s23+$0xFFFFFFC0];
	v1 =	vadd.f32 v10, v1;
	v9 =	vmul.f32 v25, v24;
	s23 =	simm.s32 $0xC0  }
.LBB2_6:
0x7f: {  	v10 =	vld [tilespmem:s23+$0x30];
	s21 =	sadd.s32 $0x80, s21  }
0x80: {  	s22 =	sadd.s32 $0x8, s22;
	v16 =	vld [tilespmem:s21+$0x30];
	v5 =	vadd.f32 v9, v5;
	v9 =	vmul.f32 v13, v11  }
0x81: {  	p0 =	slt.u32 s22, $0x1F8;
	v11 =	vld [tilespmem:s21+$0xFFFFFFC0]  }
0x82: {  	v13 =	vld [tilespmem:s23+$0xFFFFFFD0];
	v6 =	vadd.f32 v9, v6;
	v9 =	vmul.f32 v15, v12  }
0x83: {  	v12 =	vld [tilespmem:s21+$0xFFFFFFD0];
	v17 =	vmul.f32 v0, v14  }
0x84: {  	v14 =	vld [tilespmem:s23+$0xFFFFFFE0];
	v4 =	vadd.f32 v9, v4  }
0x85: {  	v9 =	vld [tilespmem:s21+$0xFFFFFFE0];
	v10 =	vmul.f32 v16, v10;
	v7 =	vadd.f32 v17, v7  }
0x86: {  	v15 =	vld [tilespmem:s23+$0xFFFFFFF0];
	v0 =	vmov v11  }
0x87: {  	v16 =	vld [tilespmem:s21+$0xFFFFFFF0];
	v2 =	vadd.f32 v10, v2  }
0x88: {  	v10 =	vmul.f32 v12, v13;
	v17 =	vld [tilespmem:s23+$0x0]  }
0x89: {  	v18 =	vld [tilespmem:s21+$0x0]  }
.Ltmp2:
0x8a: {  	v3 =	vadd.f32 v10, v3;
	v9 =	vmul.f32 v9, v14;
	v11 =	vld [tilespmem:s23+$0x10];
	(pc) =	sbr.rel @p0 .LBB2_6-.Ltmp2, $4  }
0x8b: {  	v13 =	vld [tilespmem:s21+$0x10]  }
0x8c: {  	v8 =	vadd.f32 v9, v8;
	v9 =	vmul.f32 v16, v15;
	v12 =	vld [tilespmem:s23+$0x20]  }
0x8d: {  	v15 =	vld [tilespmem:s21+$0x20]  }
0x8e: {  	v14 =	vld [tilespmem:s23+$0xFFFFFFC0];
	v1 =	vadd.f32 v9, v1;
	v9 =	vmul.f32 v18, v17;
	s23 =	sadd.s32 $0x80, s23  }
0x8f: {  	_ =	swait.ge [sflag:s17], $0x2000  }
0x90: {  	[sflag:s17] =	ssyncset.done $0x0  }
0x91: {  	[sflag:s17] =	ssyncadd.s32 $0xFFFFE000  }
0x92: {  	_ =	swait.ge [sflag:s17], $0x2000  }
0x93: {  	[sflag:s17] =	ssyncset.done $0x0  }
0x94: {  	s23 =	simm.s32 $0x2040;
	[sflag:s17] =	ssyncadd.s32 $0xFFFFE000  }
0x95: {  	s21 =	simm.s32 $0x6040;
	v16 =	vld [tilespmem:s23+$0x30]  }
0x96: {  	v17 =	vld [tilespmem:s21+$0x30]  }
0x97: {  	v10 =	vld [tilespmem:s21+$0xFFFFFFC0]  }
0x98: {  	v18 =	vld [tilespmem:s23+$0xFFFFFFD0]  }
0x99: {  	v19 =	vld [tilespmem:s21+$0xFFFFFFD0]  }
0x9a: {  	v20 =	vld [tilespmem:s23+$0xFFFFFFE0]  }
0x9b: {  	v21 =	vld [tilespmem:s21+$0xFFFFFFE0]  }
0x9c: {  	v22 =	vld [tilespmem:s23+$0xFFFFFFF0]  }
0x9d: {  	v23 =	vld [tilespmem:s21+$0xFFFFFFF0]  }
0x9e: {  	v11 =	vmul.f32 v13, v11;
	v24 =	vld [tilespmem:s23+$0x0]  }
0x9f: {  	v12 =	vmul.f32 v15, v12;
	v15 =	vld [tilespmem:s21+$0x0]  }
0xa0: {  	v9 =	vadd.f32 v9, v5;
	v5 =	vadd.f32 v11, v6;
	v6 =	vmul.f32 v0, v14;
	v11 =	vld [tilespmem:s23+$0x10]  }
0xa1: {  	v0 =	vadd.f32 v12, v4;
	v12 =	vld [tilespmem:s21+$0x10];
	v13 =	vmul.f32 v17, v16;
	v14 =	vmul.f32 v19, v18  }
0xa2: {  	v4 =	vadd.f32 v6, v7;
	v7 =	vld [tilespmem:s23+$0x20];
	v6 =	vmul.f32 v21, v20;
	v63 =	vmul.f32 v23, v22  }
0xa3: {  	v2 =	vadd.f32 v13, v2;
	v3 =	vadd.f32 v14, v3;
	v13 =	vld [tilespmem:s21+$0x20]  }
0xa4: {  	s22 =	simm.s32 $0x0;
	v6 =	vadd.f32 v6, v8;
	v8 =	vld [tilespmem:s23+$0xFFFFFFC0];
	v1 =	vadd.f32 v63, v1;
	v14 =	vmul.f32 v15, v24;
	s23 =	simm.s32 $0x20C0  }
.LBB2_8:
0xa5: {  	v15 =	vld [tilespmem:s23+$0x30];
	s21 =	sadd.s32 $0x80, s21  }
0xa6: {  	s22 =	sadd.s32 $0x8, s22;
	v16 =	vld [tilespmem:s21+$0x30];
	v9 =	vadd.f32 v14, v9;
	v11 =	vmul.f32 v12, v11  }
0xa7: {  	p0 =	slt.u32 s22, $0x1F8;
	v12 =	vld [tilespmem:s21+$0xFFFFFFC0]  }
0xa8: {  	v14 =	vld [tilespmem:s23+$0xFFFFFFD0];
	v5 =	vadd.f32 v11, v5;
	v7 =	vmul.f32 v13, v7  }
0xa9: {  	v11 =	vld [tilespmem:s21+$0xFFFFFFD0];
	v8 =	vmul.f32 v10, v8  }
0xaa: {  	v13 =	vld [tilespmem:s23+$0xFFFFFFE0];
	v0 =	vadd.f32 v7, v0  }
0xab: {  	v7 =	vld [tilespmem:s21+$0xFFFFFFE0];
	v15 =	vmul.f32 v16, v15;
	v4 =	vadd.f32 v8, v4  }
0xac: {  	v8 =	vld [tilespmem:s23+$0xFFFFFFF0];
	v10 =	vmov v12  }
0xad: {  	v16 =	vld [tilespmem:s21+$0xFFFFFFF0];
	v2 =	vadd.f32 v15, v2  }
0xae: {  	v11 =	vmul.f32 v11, v14;
	v14 =	vld [tilespmem:s23+$0x0]  }
0xaf: {  	v15 =	vld [tilespmem:s21+$0x0]  }
.Ltmp3:
0xb0: {  	v3 =	vadd.f32 v11, v3;
	v7 =	vmul.f32 v7, v13;
	v11 =	vld [tilespmem:s23+$0x10];
	(pc) =	sbr.rel @p0 .LBB2_8-.Ltmp3, $4  }
0xb1: {  	v12 =	vld [tilespmem:s21+$0x10]  }
0xb2: {  	v6 =	vadd.f32 v7, v6;
	v16 =	vmul.f32 v16, v8;
	v7 =	vld [tilespmem:s23+$0x20]  }
0xb3: {  	v13 =	vld [tilespmem:s21+$0x20]  }
0xb4: {  	v8 =	vld [tilespmem:s23+$0xFFFFFFC0];
	v1 =	vadd.f32 v16, v1;
	v14 =	vmul.f32 v15, v14;
	s23 =	sadd.s32 $0x80, s23  }
0xb5: {  	_ =	sdelay $0x3  }
0xb6: {  	v8 =	vmul.f32 v10, v8;
	_ =	sdelay $0x1  }
0xb7: {  	v4 =	vadd.f32 v8, v4;
	_ =	sdelay $0x1  }
0xb8: {  	v4 =	vadd.f32 $0.0e+00, v4;
	_ =	sdelay $0x1  }
0xb9: {  	v3 =	vadd.f32 v3, v4;
	_ =	sdelay $0x1  }
0xba: {  	v3 =	vadd.f32 v6, v3;
	_ =	sdelay $0x1  }
0xbb: {  	v60 =	vadd.f32 v14, v9;
	v61 =	vmul.f32 v12, v11;
	v1 =	vadd.f32 v1, v3;
	_ =	sdelay $0x1  }
0xbc: {  	v62 =	vadd.f32 v61, v5;
	v63 =	vmul.f32 v13, v7;
	v1 =	vadd.f32 v60, v1;
	_ =	sdelay $0x1  }
0xbd: {  	v0 =	vadd.f32 v63, v0;
	v1 =	vadd.f32 v62, v1;
	_ =	sdelay $0x1  }
0xbe: {  	v0 =	vadd.f32 v0, v1;
	_ =	sdelay $0x1  }
0xbf: {  	s20 =	sadd.s32 $0x1, s20;
	v0 =	vadd.f32 v2, v0  }
0xc0: {  	p0 =	sne.s32 s20, s12  }
.Ltmp4:
0xc1: {  	[tilespmem:$0x8000] =	vst v0;
	(pc) =	sbr.rel @p0 .LBB2_1-.Ltmp4, $4  }
0xc2: {  	[hbm4b:s11+s2] =	stream.linear.scatter [tilespmem:s18], [sflag:$0x3], $0x80, $0x38;
	[tilespmem:$0x8080] =	vst v63  }
0xc3: {  	_ =	swait.ge [sflag:s19], $0x80  }
0xc4: {  	[sflag:s19] =	ssyncset.done $0x0  }
0xc5: {  	[sflag:s19] =	ssyncadd.s32 $0xFFFFFF80  }
0xc6: {  	_ =	sfence.sel $0x180000  }
0xc7: {  	[bflag:$0x0] =	sbarrier.arrive $0xFFFF  }
0xc8: {  	p0 =	sne.s32 s1, $0x0;
	_ =	strace $0x90000047  }
0xc9: {  	s0 =	sadd.s32 @!p0 $0x100000, s0;
	[bflag:$0x2] =	sbarrier.arrive $0xFFFF  }
0xca: {  	[sflag:s0] =	ssyncadd.tile.s32 @!p0 $0x1;
	_ =	shalt  }
.Lfunc_end2:
_tile_overlayer_lowered:
.L_overlay_start_2:
0xcb: {  	(tag) =	ssettag $0x2  }
0xcc: {  	s0 =	rddreg [dreg:$0x0];
	s2 =	stileid.u32  }
0xcd: {  	s1 =	rddreg [dreg:$0x1];
	p0 =	sne.s32 s2, $0x0  }
0xce: {  	s3 =	rddreg [dreg:$0x2];
	[bflag:$0x3] =	sbarrier.arrive $0xFFFF;
	s2 =	simm.s32 @!p0 $0x1C03  }
0xcf: {  	[timem:s3], [sflag:s2] =	dma.local @!p0 [hbm:s0], s1  }
0xd0: {  	s0 =	simm.s32 @!p0 $0x3  }
0xd1: {  	_ =	swait.ge @!p0 [sflag:s0], s1  }
0xd2: {  	s1 =	ssub.s32 @!p0 $0x0, s1;
	[sflag:s0] =	ssyncset.done @!p0 $0x0  }
0xd3: {  	[sflag:s0] =	ssyncadd.s32 @!p0 s1  }
0xd4: {  	[bflag:$0x3] =	sbarrier.arrive $0xFFFF  }
0xd5: {  	_ =	shalt  }

</sc_bundles>
